<compile_context>
chip_gen: v7x
topology: tpu7x:2x2x1
jax: 0.10.2.dev20260603
libtpu: 0.0.44.dev20260713+nightly
codegen_flags: <defaults>
</compile_context>

<pallas_src>
import functools

import jax
import jax.numpy as jnp
from jax import lax
from jax.experimental import pallas as pl
from jax.experimental.pallas import tpu as pltpu
from jax.experimental.pallas import tpu_sc as plsc

NC = 2
NS = 16
NW = NC * NS
CHUNK = 128
CNT_W = 16
TRASH = 240

_SC_PARAMS = pltpu.CompilerParams(needs_layout_passes=False)


@functools.cache
def _sc_mesh():
    return plsc.VectorSubcoreMesh(
        core_axis_name="c", subcore_axis_name="s",
        num_cores=NC, num_subcores=NS)


def _sc_sums(h_pad, srcm, dstm, zeros_hbm):
    npad, d = h_pad.shape
    rpw = srcm.shape[0] // NW
    rpt = npad // NS

    @functools.partial(
        pl.kernel,
        out_type=jax.ShapeDtypeStruct((NC, npad, d), jnp.float32),
        mesh=_sc_mesh(),
        scratch_types=[
            pltpu.VMEM((CHUNK,), jnp.int32),
            pltpu.VMEM((CHUNK,), jnp.int32),
            pltpu.VMEM((CHUNK,), jnp.int32),
            pltpu.VMEM((CHUNK,), jnp.int32),
            pltpu.VMEM((CHUNK, d), jnp.float32),
            pltpu.VMEM((CHUNK, d), jnp.float32),
            pltpu.VMEM_SHARED((npad, d), jnp.float32),
            pltpu.SemaphoreType.DMA,
            pltpu.SemaphoreType.DMA,
            pltpu.SemaphoreType.DMA,
            pltpu.SemaphoreType.DMA,
            pltpu.SemaphoreType.DMA,
            pltpu.SemaphoreType.DMA,
        ],
        compiler_params=_SC_PARAMS,
    )
    def body(h_hbm, src_hbm, dst_hbm, z_hbm, sum_out,
             sidx0, sidx1, didx0, didx1, rows0, rows1, ssum,
             sem_g0, sem_g1, sem_d0, sem_d1, sem_s0, sem_s1):
        cid = lax.axis_index("c")
        sid = lax.axis_index("s")
        wid = sid * NC + cid
        r0 = sid * rpt
        base = wid * rpw

        pltpu.sync_copy(z_hbm, rows0)
        for k in range(rpt // CHUNK):
            pltpu.sync_copy(rows0, ssum.at[pl.ds(r0 + k * CHUNK, CHUNK)])
        plsc.subcore_barrier()

        def scopy(j, sbuf, sem):
            return pltpu.make_async_copy(src_hbm.at[base + j], sbuf, sem)

        def dcopy(j, dbuf, sem):
            return pltpu.make_async_copy(dst_hbm.at[base + j], dbuf, sem)

        def gcopy(sbuf, rows, sem):
            return pltpu.make_async_copy(h_hbm.at[sbuf], rows, sem)

        gfull = rpw // 2
        scopy(0, sidx0, sem_s0).start()
        scopy(1, sidx1, sem_s1).start()
        dcopy(0, didx0, sem_d0).start()
        scopy(0, sidx0, sem_s0).wait()
        gcopy(sidx0, rows0, sem_g0).start()

        @pl.loop(0, gfull)
        def _(g):
            j = 2 * g
            scopy(j + 1, sidx1, sem_s1).wait()
            gcopy(sidx1, rows1, sem_g1).start()
            dcopy(j + 1, didx1, sem_d1).start()
            gcopy(sidx0, rows0, sem_g0).wait()

            @pl.when(g + 1 < gfull)
            def _():
                scopy(j + 2, sidx0, sem_s0).start()

            dcopy(j, didx0, sem_d0).wait()
            pltpu.sync_copy(rows0, ssum.at[didx0], add=True)

            @pl.when(g + 1 < gfull)
            def _():
                dcopy(j + 2, didx0, sem_d0).start()

            gcopy(sidx1, rows1, sem_g1).wait()

            @pl.when(g + 1 < gfull)
            def _():
                scopy(j + 2, sidx0, sem_s0).wait()
                gcopy(sidx0, rows0, sem_g0).start()
                scopy(j + 3, sidx1, sem_s1).start()

            dcopy(j + 1, didx1, sem_d1).wait()
            pltpu.sync_copy(rows1, ssum.at[didx1], add=True)

        plsc.subcore_barrier()

        for k in range(rpt // CHUNK):
            o = r0 + k * CHUNK
            pltpu.sync_copy(ssum.at[pl.ds(o, CHUNK)], rows0)
            pltpu.sync_copy(rows0, sum_out.at[cid, pl.ds(o, CHUNK)])

    return body(h_pad, srcm, dstm, zeros_hbm)


def _sc_counts(dstm, npad, d, ones_hbm_in, zeros_hbm_in):
    rpw = dstm.shape[0] // NW
    rpt = npad // NS

    @functools.partial(
        pl.kernel,
        out_type=jax.ShapeDtypeStruct((NC, npad, d), jnp.float32),
        mesh=_sc_mesh(),
        scratch_types=[
            pltpu.VMEM((CHUNK,), jnp.int32),
            pltpu.VMEM((CHUNK, d), jnp.float32),
            pltpu.VMEM((CHUNK, d), jnp.float32),
            pltpu.VMEM_SHARED((npad, d), jnp.float32),
        ],
    )
    def body(dst_hbm, ones_hbm, zeros_hbm, cnt_out, didx, ones_v, cstage,
             scnt):
        cid = lax.axis_index("c")
        sid = lax.axis_index("s")
        wid = sid * NC + cid
        r0 = sid * rpt

        pltpu.sync_copy(ones_hbm, ones_v)
        pltpu.sync_copy(zeros_hbm, cstage)
        for k in range(rpt // CHUNK):
            pltpu.sync_copy(cstage, scnt.at[pl.ds(r0 + k * CHUNK, CHUNK)])
        plsc.subcore_barrier()

        base = wid * rpw

        @pl.loop(0, rpw)
        def _(j):
            pltpu.sync_copy(dst_hbm.at[base + j], didx)
            pltpu.sync_copy(ones_v, scnt.at[didx], add=True)

        plsc.subcore_barrier()

        for k in range(rpt // CHUNK):
            o = r0 + k * CHUNK
            pltpu.sync_copy(scnt.at[pl.ds(o, CHUNK)], cstage)
            pltpu.sync_copy(cstage, cnt_out.at[cid, pl.ds(o, CHUNK)])

    return body(dstm, ones_hbm_in, zeros_hbm_in)


def _combine_body(h_ref, p_ref, c_ref, w1_ref, w2_ref, b_ref, o_ref):
    s = p_ref[0] + p_ref[1]
    cnt = c_ref[0, :, :1] + c_ref[1, :, :1]
    hn = s / jnp.maximum(cnt, 1.0)
    o_ref[...] = (
        jnp.dot(h_ref[...], w1_ref[...], preferred_element_type=jnp.float32)
        + jnp.dot(hn, w2_ref[...], preferred_element_type=jnp.float32)
        + b_ref[...])


def _tc_combine(h_pad, psum, pcnt, w1, w2, b2d):
    npad, d = h_pad.shape
    dout = w1.shape[1]
    blk = 1280
    grid = npad // blk
    return pl.pallas_call(
        _combine_body,
        grid=(grid,),
        in_specs=[
            pl.BlockSpec((blk, d), lambda i: (i, 0)),
            pl.BlockSpec((NC, blk, d), lambda i: (0, i, 0)),
            pl.BlockSpec((NC, blk, d), lambda i: (0, i, 0)),
            pl.BlockSpec((d, dout), lambda i: (0, 0)),
            pl.BlockSpec((d, dout), lambda i: (0, 0)),
            pl.BlockSpec((1, dout), lambda i: (0, 0)),
        ],
        out_specs=pl.BlockSpec((blk, dout), lambda i: (i, 0)),
        out_shape=jax.ShapeDtypeStruct((npad, dout), jnp.float32),
    )(h_pad, psum, pcnt, w1, w2, b2d)


def kernel(h, edge_index, idx, W, b):
    del idx
    n, d = h.shape
    e = edge_index.shape[1]
    src = edge_index[0].astype(jnp.int32)
    dst = edge_index[1].astype(jnp.int32)

    npad = -(-(n + TRASH) // (CHUNK * NS)) * (CHUNK * NS)
    h_pad = jnp.zeros((npad, d), jnp.float32).at[:n].set(h)

    epad = -(-e // (CHUNK * NW)) * (CHUNK * NW)
    pad = epad - e
    spread = n + (jnp.arange(pad, dtype=jnp.int32) % TRASH)
    srcm = jnp.concatenate([src, spread]).reshape(-1, CHUNK)
    dstm = jnp.concatenate([dst, spread]).reshape(-1, CHUNK)

    zeros_hbm = jnp.zeros((CHUNK, d), jnp.float32)
    ones_hbm = jnp.ones((CHUNK, d), jnp.float32)
    psum = _sc_sums(h_pad, srcm, dstm, zeros_hbm)
    pcnt = _sc_counts(dstm, npad, d, ones_hbm, zeros_hbm)
    w1 = W[:, :d].T
    w2 = W[:, d:].T
    out = _tc_combine(h_pad, psum, pcnt, w1, w2, b.reshape(1, -1))
    return out[:n]

# --- scband reference (transcript-rebuilt; emitter-appended) ---
"""Pipeline reference for scband-sage-conv-ext-55576876810841 (READ-ONLY COPY).

The authoritative reference and input builder live on the scoring server;
editing this copy changes nothing except your own understanding.
"""

import jax, jax.numpy as jnp
import numpy as np

N_NODES = 10000
N_EDGES = 320000
D_FEAT = 128
D_OUT = 128


def setup_inputs(seed: int = 0) -> dict:
    key = jax.random.key(seed)
    k1, k2, k3, k4, k5 = jax.random.split(key, 5)
    h = jax.random.normal(k1, (N_NODES, D_FEAT), dtype=jnp.float32)
    edge_index = jax.random.randint(k2, (2, N_EDGES), 0, N_NODES)
    idx = jax.random.randint(k3, (5000,), 0, N_NODES)
    # nn.Linear(2*in_feat, out_feat): weight [out, 2*in], bias [out]
    W = jax.random.normal(k4, (D_OUT, 2 * D_FEAT), dtype=jnp.float32) * 0.05
    b = jax.random.normal(k5, (D_OUT,), dtype=jnp.float32) * 0.05
    return {"h": h, "edge_index": edge_index, "idx": idx, "W": W, "b": b}


def reference(h, edge_index, idx, W, b):
    # update_func == 'cat' path:
    # g.update_all(copy_u('h','m'), mean('m','h_N')) -> per-dst-node mean of src features
    n = h.shape[0]
    src = edge_index[0]
    dst = edge_index[1]
    msgs = jnp.take(h, src, axis=0)                       # gather src features [E, d]
    summed = jax.ops.segment_sum(msgs, dst, num_segments=n)
    counts = jax.ops.segment_sum(jnp.ones((msgs.shape[0],), dtype=h.dtype), dst, num_segments=n)
    h_N = summed / jnp.maximum(counts, 1.0)[:, None]      # DGL mean: nodes with no in-edges get 0
    h_total = jnp.concatenate([h, h_N], axis=1)           # [N, 2d]
    out = h_total @ W.T + b                               # Linear(2d -> out)
    return out

if __name__ == "__main__":
    import jax
    _d = setup_inputs()
    print(jax.jit(kernel)(*tuple(_d.values())))

</pallas_src>

<mosaic_0001>
#map = affine_map<(d0, d1) -> (0, 0)>
#map1 = affine_map<(d0, d1) -> (0, 0, 0)>
module attributes {stable_mosaic.version = 14 : i64} {
  func.func @body(%arg0: i32, %arg1: i32, %arg2: memref<10240x128xf32, #tpu.memory_space<hbm>>, %arg3: memref<2528x128xi32, #tpu.memory_space<hbm>>, %arg4: memref<2528x128xi32, #tpu.memory_space<hbm>>, %arg5: memref<128x128xf32, #tpu.memory_space<hbm>>, %arg6: memref<2x10240x128xf32, #tpu.memory_space<hbm>>, %arg7: memref<128xi32, #tpu.memory_space<vmem>>, %arg8: memref<128xi32, #tpu.memory_space<vmem>>, %arg9: memref<128xi32, #tpu.memory_space<vmem>>, %arg10: memref<128xi32, #tpu.memory_space<vmem>>, %arg11: memref<128x128xf32, #tpu.memory_space<vmem>>, %arg12: memref<128x128xf32, #tpu.memory_space<vmem>>, %arg13: memref<10240x128xf32, #tpu.memory_space<vmem_shared>>, %arg14: memref<!tpu.dma_semaphore, #tpu.memory_space<semaphore_mem>>, %arg15: memref<!tpu.dma_semaphore, #tpu.memory_space<semaphore_mem>>, %arg16: memref<!tpu.dma_semaphore, #tpu.memory_space<semaphore_mem>>, %arg17: memref<!tpu.dma_semaphore, #tpu.memory_space<semaphore_mem>>, %arg18: memref<!tpu.dma_semaphore, #tpu.memory_space<semaphore_mem>>, %arg19: memref<!tpu.dma_semaphore, #tpu.memory_space<semaphore_mem>>) attributes {dimension_semantics = [#tpu.dimension_semantics<core_parallel>, #tpu.dimension_semantics<subcore_parallel>], iteration_bounds = array<i64: 2, 16>, scalar_prefetch = 0 : i64, scratch_operands = 13 : i64, tpu.core_type = #tpu.core_type<sc_vector_subcore>, window_params = [{transform_indices = #map}, {transform_indices = #map}, {transform_indices = #map}, {transform_indices = #map}, {transform_indices = #map1}]} {
    %mul3A = arith.constant 2 : i32
    %mul3A_0 = arith.muli %arg1, %mul3A : i32
    %add3A = arith.addi %mul3A_0, %arg0 : i32
    %mul3A_1 = arith.constant 640 : i32
    %mul3A_2 = arith.muli %arg1, %mul3A_1 : i32
    %mul3A_3 = arith.constant 79 : i32
    %mul3A_4 = arith.muli %add3A, %mul3A_3 : i32
    "tpu.region"() ({
      %run_scoped3A = tpu.sem_alloc : memref<!tpu.dma_semaphore, #tpu.memory_space<semaphore_mem>>
      tpu.enqueue_dma source(%arg5 : memref<128x128xf32, #tpu.memory_space<hbm>>) target(%arg11 : memref<128x128xf32, #tpu.memory_space<vmem>>) target_semaphore(%run_scoped3A : memref<!tpu.dma_semaphore, #tpu.memory_space<semaphore_mem>>)
      tpu.wait_dma2 semaphore(%run_scoped3A : memref<!tpu.dma_semaphore, #tpu.memory_space<semaphore_mem>>) src(%arg5 : memref<128x128xf32, #tpu.memory_space<hbm>>) dst(%arg11 : memref<128x128xf32, #tpu.memory_space<vmem>>)
      tpu.yield
    }) : () -> ()
    %add3A_5 = arith.constant 0 : i32
    %add3A_6 = arith.addi %mul3A_2, %add3A_5 : i32
    "tpu.region"() ({
      %run_scoped3A = tpu.sem_alloc : memref<!tpu.dma_semaphore, #tpu.memory_space<semaphore_mem>>
      %dma_start3A_63 = arith.constant 0 : i32
      %dma_start3A_64 = tpu.memref_slice %arg13[%add3A_6, %dma_start3A_63] : memref<10240x128xf32, #tpu.memory_space<vmem_shared>> -> memref<128x128xf32, #tpu.memory_space<vmem_shared>>
      %dma_start3A_65 = arith.constant 0 : i32
      %dma_start3A_66 = tpu.memref_slice %arg13[%add3A_6, %dma_start3A_65] : memref<10240x128xf32, #tpu.memory_space<vmem_shared>> -> memref<128x128xf32, #tpu.memory_space<vmem_shared>>
      tpu.enqueue_dma source(%arg11 : memref<128x128xf32, #tpu.memory_space<vmem>>) target(%dma_start3A_66 : memref<128x128xf32, #tpu.memory_space<vmem_shared>>) target_semaphore(%run_scoped3A : memref<!tpu.dma_semaphore, #tpu.memory_space<semaphore_mem>>)
      %dma_wait3A_67 = arith.constant 0 : i32
      %dma_wait3A_68 = tpu.memref_slice %arg13[%add3A_6, %dma_wait3A_67] : memref<10240x128xf32, #tpu.memory_space<vmem_shared>> -> memref<128x128xf32, #tpu.memory_space<vmem_shared>>
      %dma_wait3A_69 = arith.constant 0 : i32
      %dma_wait3A_70 = tpu.memref_slice %arg13[%add3A_6, %dma_wait3A_69] : memref<10240x128xf32, #tpu.memory_space<vmem_shared>> -> memref<128x128xf32, #tpu.memory_space<vmem_shared>>
      tpu.wait_dma2 semaphore(%run_scoped3A : memref<!tpu.dma_semaphore, #tpu.memory_space<semaphore_mem>>) src(%arg11 : memref<128x128xf32, #tpu.memory_space<vmem>>) dst(%dma_wait3A_70 : memref<128x128xf32, #tpu.memory_space<vmem_shared>>)
      tpu.yield
    }) : () -> ()
    %add3A_7 = arith.constant 128 : i32
    %add3A_8 = arith.addi %mul3A_2, %add3A_7 : i32
    "tpu.region"() ({
      %run_scoped3A = tpu.sem_alloc : memref<!tpu.dma_semaphore, #tpu.memory_space<semaphore_mem>>
      %dma_start3A_63 = arith.constant 0 : i32
      %dma_start3A_64 = tpu.memref_slice %arg13[%add3A_8, %dma_start3A_63] : memref<10240x128xf32, #tpu.memory_space<vmem_shared>> -> memref<128x128xf32, #tpu.memory_space<vmem_shared>>
      %dma_start3A_65 = arith.constant 0 : i32
      %dma_start3A_66 = tpu.memref_slice %arg13[%add3A_8, %dma_start3A_65] : memref<10240x128xf32, #tpu.memory_space<vmem_shared>> -> memref<128x128xf32, #tpu.memory_space<vmem_shared>>
      tpu.enqueue_dma source(%arg11 : memref<128x128xf32, #tpu.memory_space<vmem>>) target(%dma_start3A_66 : memref<128x128xf32, #tpu.memory_space<vmem_shared>>) target_semaphore(%run_scoped3A : memref<!tpu.dma_semaphore, #tpu.memory_space<semaphore_mem>>)
      %dma_wait3A_67 = arith.constant 0 : i32
      %dma_wait3A_68 = tpu.memref_slice %arg13[%add3A_8, %dma_wait3A_67] : memref<10240x128xf32, #tpu.memory_space<vmem_shared>> -> memref<128x128xf32, #tpu.memory_space<vmem_shared>>
      %dma_wait3A_69 = arith.constant 0 : i32
      %dma_wait3A_70 = tpu.memref_slice %arg13[%add3A_8, %dma_wait3A_69] : memref<10240x128xf32, #tpu.memory_space<vmem_shared>> -> memref<128x128xf32, #tpu.memory_space<vmem_shared>>
      tpu.wait_dma2 semaphore(%run_scoped3A : memref<!tpu.dma_semaphore, #tpu.memory_space<semaphore_mem>>) src(%arg11 : memref<128x128xf32, #tpu.memory_space<vmem>>) dst(%dma_wait3A_70 : memref<128x128xf32, #tpu.memory_space<vmem_shared>>)
      tpu.yield
    }) : () -> ()
    %add3A_9 = arith.constant 256 : i32
    %add3A_10 = arith.addi %mul3A_2, %add3A_9 : i32
    "tpu.region"() ({
      %run_scoped3A = tpu.sem_alloc : memref<!tpu.dma_semaphore, #tpu.memory_space<semaphore_mem>>
      %dma_start3A_63 = arith.constant 0 : i32
      %dma_start3A_64 = tpu.memref_slice %arg13[%add3A_10, %dma_start3A_63] : memref<10240x128xf32, #tpu.memory_space<vmem_shared>> -> memref<128x128xf32, #tpu.memory_space<vmem_shared>>
      %dma_start3A_65 = arith.constant 0 : i32
      %dma_start3A_66 = tpu.memref_slice %arg13[%add3A_10, %dma_start3A_65] : memref<10240x128xf32, #tpu.memory_space<vmem_shared>> -> memref<128x128xf32, #tpu.memory_space<vmem_shared>>
      tpu.enqueue_dma source(%arg11 : memref<128x128xf32, #tpu.memory_space<vmem>>) target(%dma_start3A_66 : memref<128x128xf32, #tpu.memory_space<vmem_shared>>) target_semaphore(%run_scoped3A : memref<!tpu.dma_semaphore, #tpu.memory_space<semaphore_mem>>)
      %dma_wait3A_67 = arith.constant 0 : i32
      %dma_wait3A_68 = tpu.memref_slice %arg13[%add3A_10, %dma_wait3A_67] : memref<10240x128xf32, #tpu.memory_space<vmem_shared>> -> memref<128x128xf32, #tpu.memory_space<vmem_shared>>
      %dma_wait3A_69 = arith.constant 0 : i32
      %dma_wait3A_70 = tpu.memref_slice %arg13[%add3A_10, %dma_wait3A_69] : memref<10240x128xf32, #tpu.memory_space<vmem_shared>> -> memref<128x128xf32, #tpu.memory_space<vmem_shared>>
      tpu.wait_dma2 semaphore(%run_scoped3A : memref<!tpu.dma_semaphore, #tpu.memory_space<semaphore_mem>>) src(%arg11 : memref<128x128xf32, #tpu.memory_space<vmem>>) dst(%dma_wait3A_70 : memref<128x128xf32, #tpu.memory_space<vmem_shared>>)
      tpu.yield
    }) : () -> ()
    %add3A_11 = arith.constant 384 : i32
    %add3A_12 = arith.addi %mul3A_2, %add3A_11 : i32
    "tpu.region"() ({
      %run_scoped3A = tpu.sem_alloc : memref<!tpu.dma_semaphore, #tpu.memory_space<semaphore_mem>>
      %dma_start3A_63 = arith.constant 0 : i32
      %dma_start3A_64 = tpu.memref_slice %arg13[%add3A_12, %dma_start3A_63] : memref<10240x128xf32, #tpu.memory_space<vmem_shared>> -> memref<128x128xf32, #tpu.memory_space<vmem_shared>>
      %dma_start3A_65 = arith.constant 0 : i32
      %dma_start3A_66 = tpu.memref_slice %arg13[%add3A_12, %dma_start3A_65] : memref<10240x128xf32, #tpu.memory_space<vmem_shared>> -> memref<128x128xf32, #tpu.memory_space<vmem_shared>>
      tpu.enqueue_dma source(%arg11 : memref<128x128xf32, #tpu.memory_space<vmem>>) target(%dma_start3A_66 : memref<128x128xf32, #tpu.memory_space<vmem_shared>>) target_semaphore(%run_scoped3A : memref<!tpu.dma_semaphore, #tpu.memory_space<semaphore_mem>>)
      %dma_wait3A_67 = arith.constant 0 : i32
      %dma_wait3A_68 = tpu.memref_slice %arg13[%add3A_12, %dma_wait3A_67] : memref<10240x128xf32, #tpu.memory_space<vmem_shared>> -> memref<128x128xf32, #tpu.memory_space<vmem_shared>>
      %dma_wait3A_69 = arith.constant 0 : i32
      %dma_wait3A_70 = tpu.memref_slice %arg13[%add3A_12, %dma_wait3A_69] : memref<10240x128xf32, #tpu.memory_space<vmem_shared>> -> memref<128x128xf32, #tpu.memory_space<vmem_shared>>
      tpu.wait_dma2 semaphore(%run_scoped3A : memref<!tpu.dma_semaphore, #tpu.memory_space<semaphore_mem>>) src(%arg11 : memref<128x128xf32, #tpu.memory_space<vmem>>) dst(%dma_wait3A_70 : memref<128x128xf32, #tpu.memory_space<vmem_shared>>)
      tpu.yield
    }) : () -> ()
    %add3A_13 = arith.constant 512 : i32
    %add3A_14 = arith.addi %mul3A_2, %add3A_13 : i32
    "tpu.region"() ({
      %run_scoped3A = tpu.sem_alloc : memref<!tpu.dma_semaphore, #tpu.memory_space<semaphore_mem>>
      %dma_start3A_63 = arith.constant 0 : i32
      %dma_start3A_64 = tpu.memref_slice %arg13[%add3A_14, %dma_start3A_63] : memref<10240x128xf32, #tpu.memory_space<vmem_shared>> -> memref<128x128xf32, #tpu.memory_space<vmem_shared>>
      %dma_start3A_65 = arith.constant 0 : i32
      %dma_start3A_66 = tpu.memref_slice %arg13[%add3A_14, %dma_start3A_65] : memref<10240x128xf32, #tpu.memory_space<vmem_shared>> -> memref<128x128xf32, #tpu.memory_space<vmem_shared>>
      tpu.enqueue_dma source(%arg11 : memref<128x128xf32, #tpu.memory_space<vmem>>) target(%dma_start3A_66 : memref<128x128xf32, #tpu.memory_space<vmem_shared>>) target_semaphore(%run_scoped3A : memref<!tpu.dma_semaphore, #tpu.memory_space<semaphore_mem>>)
      %dma_wait3A_67 = arith.constant 0 : i32
      %dma_wait3A_68 = tpu.memref_slice %arg13[%add3A_14, %dma_wait3A_67] : memref<10240x128xf32, #tpu.memory_space<vmem_shared>> -> memref<128x128xf32, #tpu.memory_space<vmem_shared>>
      %dma_wait3A_69 = arith.constant 0 : i32
      %dma_wait3A_70 = tpu.memref_slice %arg13[%add3A_14, %dma_wait3A_69] : memref<10240x128xf32, #tpu.memory_space<vmem_shared>> -> memref<128x128xf32, #tpu.memory_space<vmem_shared>>
      tpu.wait_dma2 semaphore(%run_scoped3A : memref<!tpu.dma_semaphore, #tpu.memory_space<semaphore_mem>>) src(%arg11 : memref<128x128xf32, #tpu.memory_space<vmem>>) dst(%dma_wait3A_70 : memref<128x128xf32, #tpu.memory_space<vmem_shared>>)
      tpu.yield
    }) : () -> ()
    %barrier3A = arith.constant 0 : index
    tpu.barrier barrier_id(%barrier3A)
    %add3A_15 = arith.constant 0 : i32
    %add3A_16 = arith.addi %mul3A_4, %add3A_15 : i32
    %dma_start3A = arith.constant 0 : i32
    %dma_start3A_17 = tpu.memref_slice %arg3[%add3A_16, %dma_start3A] : memref<2528x128xi32, #tpu.memory_space<hbm>> -> memref<1x128xi32, #tpu.memory_space<hbm>>
    %dma_start3A_18 = tpu.memref_squeeze %dma_start3A_17 : memref<1x128xi32, #tpu.memory_space<hbm>> -> memref<128xi32, #tpu.memory_space<hbm>>
    %dma_start3A_19 = arith.constant 0 : i32
    %dma_start3A_20 = tpu.memref_slice %arg3[%add3A_16, %dma_start3A_19] : memref<2528x128xi32, #tpu.memory_space<hbm>> -> memref<1x128xi32, #tpu.memory_space<hbm>>
    %dma_start3A_21 = tpu.memref_squeeze %dma_start3A_20 : memref<1x128xi32, #tpu.memory_space<hbm>> -> memref<128xi32, #tpu.memory_space<hbm>>
    tpu.enqueue_dma source(%dma_start3A_21 : memref<128xi32, #tpu.memory_space<hbm>>) target(%arg7 : memref<128xi32, #tpu.memory_space<vmem>>) target_semaphore(%arg18 : memref<!tpu.dma_semaphore, #tpu.memory_space<semaphore_mem>>)
    %add3A_22 = arith.constant 1 : i32
    %add3A_23 = arith.addi %mul3A_4, %add3A_22 : i32
    %dma_start3A_24 = arith.constant 0 : i32
    %dma_start3A_25 = tpu.memref_slice %arg3[%add3A_23, %dma_start3A_24] : memref<2528x128xi32, #tpu.memory_space<hbm>> -> memref<1x128xi32, #tpu.memory_space<hbm>>
    %dma_start3A_26 = tpu.memref_squeeze %dma_start3A_25 : memref<1x128xi32, #tpu.memory_space<hbm>> -> memref<128xi32, #tpu.memory_space<hbm>>
    %dma_start3A_27 = arith.constant 0 : i32
    %dma_start3A_28 = tpu.memref_slice %arg3[%add3A_23, %dma_start3A_27] : memref<2528x128xi32, #tpu.memory_space<hbm>> -> memref<1x128xi32, #tpu.memory_space<hbm>>
    %dma_start3A_29 = tpu.memref_squeeze %dma_start3A_28 : memref<1x128xi32, #tpu.memory_space<hbm>> -> memref<128xi32, #tpu.memory_space<hbm>>
    tpu.enqueue_dma source(%dma_start3A_29 : memref<128xi32, #tpu.memory_space<hbm>>) target(%arg8 : memref<128xi32, #tpu.memory_space<vmem>>) target_semaphore(%arg19 : memref<!tpu.dma_semaphore, #tpu.memory_space<semaphore_mem>>)
    %add3A_30 = arith.constant 0 : i32
    %add3A_31 = arith.addi %mul3A_4, %add3A_30 : i32
    %dma_start3A_32 = arith.constant 0 : i32
    %dma_start3A_33 = tpu.memref_slice %arg4[%add3A_31, %dma_start3A_32] : memref<2528x128xi32, #tpu.memory_space<hbm>> -> memref<1x128xi32, #tpu.memory_space<hbm>>
    %dma_start3A_34 = tpu.memref_squeeze %dma_start3A_33 : memref<1x128xi32, #tpu.memory_space<hbm>> -> memref<128xi32, #tpu.memory_space<hbm>>
    %dma_start3A_35 = arith.constant 0 : i32
    %dma_start3A_36 = tpu.memref_slice %arg4[%add3A_31, %dma_start3A_35] : memref<2528x128xi32, #tpu.memory_space<hbm>> -> memref<1x128xi32, #tpu.memory_space<hbm>>
    %dma_start3A_37 = tpu.memref_squeeze %dma_start3A_36 : memref<1x128xi32, #tpu.memory_space<hbm>> -> memref<128xi32, #tpu.memory_space<hbm>>
    tpu.enqueue_dma source(%dma_start3A_37 : memref<128xi32, #tpu.memory_space<hbm>>) target(%arg9 : memref<128xi32, #tpu.memory_space<vmem>>) target_semaphore(%arg16 : memref<!tpu.dma_semaphore, #tpu.memory_space<semaphore_mem>>)
    %add3A_38 = arith.constant 0 : i32
    %add3A_39 = arith.addi %mul3A_4, %add3A_38 : i32
    %dma_wait3A = arith.constant 0 : i32
    %dma_wait3A_40 = tpu.memref_slice %arg3[%add3A_39, %dma_wait3A] : memref<2528x128xi32, #tpu.memory_space<hbm>> -> memref<1x128xi32, #tpu.memory_space<hbm>>
    %dma_wait3A_41 = tpu.memref_squeeze %dma_wait3A_40 : memref<1x128xi32, #tpu.memory_space<hbm>> -> memref<128xi32, #tpu.memory_space<hbm>>
    %dma_wait3A_42 = arith.constant 0 : i32
    %dma_wait3A_43 = tpu.memref_slice %arg3[%add3A_39, %dma_wait3A_42] : memref<2528x128xi32, #tpu.memory_space<hbm>> -> memref<1x128xi32, #tpu.memory_space<hbm>>
    %dma_wait3A_44 = tpu.memref_squeeze %dma_wait3A_43 : memref<1x128xi32, #tpu.memory_space<hbm>> -> memref<128xi32, #tpu.memory_space<hbm>>
    tpu.wait_dma2 semaphore(%arg18 : memref<!tpu.dma_semaphore, #tpu.memory_space<semaphore_mem>>) src(%dma_wait3A_44 : memref<128xi32, #tpu.memory_space<hbm>>) dst(%arg7 : memref<128xi32, #tpu.memory_space<vmem>>)
    %dma_start3A_45 = arith.constant 0 : i32
    %dma_start3A_46 = arith.constant 0 : i32
    %dma_start3A_47 = tpu.memref_slice %arg2[%dma_start3A_45, %dma_start3A_46] : memref<10240x128xf32, #tpu.memory_space<hbm>> -> memref<10240x128xf32, #tpu.memory_space<hbm>>
    tpu.enqueue_indirect_dma source(%dma_start3A_47 : memref<10240x128xf32, #tpu.memory_space<hbm>>) target(%arg11 : memref<128x128xf32, #tpu.memory_space<vmem>>) offsets(%arg7 : memref<128xi32, #tpu.memory_space<vmem>>) semaphore(%arg14 : memref<!tpu.dma_semaphore, #tpu.memory_space<semaphore_mem>>)
    %scan3A = arith.constant 0 : i32
    %scan3A_48 = arith.constant 39 : i32
    %scan3A_49 = arith.addi %scan3A, %scan3A_48 : i32
    %scan3A_50 = arith.constant 1 : i32
    scf.for %scan3A_63 = %scan3A to %scan3A_49 step %scan3A_50  : i32 {
      %mul3A_64 = arith.constant 1 : i32
      %mul3A_65 = arith.muli %scan3A_63, %mul3A_64 : i32
      %add3A_66 = arith.constant 0 : i32
      %add3A_67 = arith.addi %add3A_66, %mul3A_65 : i32
      %mul3A_68 = arith.constant 2 : i32
      %mul3A_69 = arith.muli %mul3A_68, %add3A_67 : i32
      %add3A_70 = arith.constant 1 : i32
      %add3A_71 = arith.addi %mul3A_69, %add3A_70 : i32
      %add3A_72 = arith.addi %mul3A_4, %add3A_71 : i32
      %dma_wait3A_73 = arith.constant 0 : i32
      %dma_wait3A_74 = tpu.memref_slice %arg3[%add3A_72, %dma_wait3A_73] : memref<2528x128xi32, #tpu.memory_space<hbm>> -> memref<1x128xi32, #tpu.memory_space<hbm>>
      %dma_wait3A_75 = tpu.memref_squeeze %dma_wait3A_74 : memref<1x128xi32, #tpu.memory_space<hbm>> -> memref<128xi32, #tpu.memory_space<hbm>>
      %dma_wait3A_76 = arith.constant 0 : i32
      %dma_wait3A_77 = tpu.memref_slice %arg3[%add3A_72, %dma_wait3A_76] : memref<2528x128xi32, #tpu.memory_space<hbm>> -> memref<1x128xi32, #tpu.memory_space<hbm>>
      %dma_wait3A_78 = tpu.memref_squeeze %dma_wait3A_77 : memref<1x128xi32, #tpu.memory_space<hbm>> -> memref<128xi32, #tpu.memory_space<hbm>>
      tpu.wait_dma2 semaphore(%arg19 : memref<!tpu.dma_semaphore, #tpu.memory_space<semaphore_mem>>) src(%dma_wait3A_78 : memref<128xi32, #tpu.memory_space<hbm>>) dst(%arg8 : memref<128xi32, #tpu.memory_space<vmem>>)
      %dma_start3A_79 = arith.constant 0 : i32
      %dma_start3A_80 = arith.constant 0 : i32
      %dma_start3A_81 = tpu.memref_slice %arg2[%dma_start3A_79, %dma_start3A_80] : memref<10240x128xf32, #tpu.memory_space<hbm>> -> memref<10240x128xf32, #tpu.memory_space<hbm>>
      tpu.enqueue_indirect_dma source(%dma_start3A_81 : memref<10240x128xf32, #tpu.memory_space<hbm>>) target(%arg12 : memref<128x128xf32, #tpu.memory_space<vmem>>) offsets(%arg8 : memref<128xi32, #tpu.memory_space<vmem>>) semaphore(%arg15 : memref<!tpu.dma_semaphore, #tpu.memory_space<semaphore_mem>>)
      %add3A_82 = arith.constant 1 : i32
      %add3A_83 = arith.addi %mul3A_69, %add3A_82 : i32
      %add3A_84 = arith.addi %mul3A_4, %add3A_83 : i32
      %dma_start3A_85 = arith.constant 0 : i32
      %dma_start3A_86 = tpu.memref_slice %arg4[%add3A_84, %dma_start3A_85] : memref<2528x128xi32, #tpu.memory_space<hbm>> -> memref<1x128xi32, #tpu.memory_space<hbm>>
      %dma_start3A_87 = tpu.memref_squeeze %dma_start3A_86 : memref<1x128xi32, #tpu.memory_space<hbm>> -> memref<128xi32, #tpu.memory_space<hbm>>
      %dma_start3A_88 = arith.constant 0 : i32
      %dma_start3A_89 = tpu.memref_slice %arg4[%add3A_84, %dma_start3A_88] : memref<2528x128xi32, #tpu.memory_space<hbm>> -> memref<1x128xi32, #tpu.memory_space<hbm>>
      %dma_start3A_90 = tpu.memref_squeeze %dma_start3A_89 : memref<1x128xi32, #tpu.memory_space<hbm>> -> memref<128xi32, #tpu.memory_space<hbm>>
      tpu.enqueue_dma source(%dma_start3A_90 : memref<128xi32, #tpu.memory_space<hbm>>) target(%arg10 : memref<128xi32, #tpu.memory_space<vmem>>) target_semaphore(%arg17 : memref<!tpu.dma_semaphore, #tpu.memory_space<semaphore_mem>>)
      %dma_wait3A_91 = arith.constant 0 : i32
      %dma_wait3A_92 = arith.constant 0 : i32
      %dma_wait3A_93 = tpu.memref_slice %arg2[%dma_wait3A_91, %dma_wait3A_92] : memref<10240x128xf32, #tpu.memory_space<hbm>> -> memref<10240x128xf32, #tpu.memory_space<hbm>>
      tpu.wait_indirect_dma semaphore(%arg14 : memref<!tpu.dma_semaphore, #tpu.memory_space<semaphore_mem>>) src(%dma_wait3A_93 : memref<10240x128xf32, #tpu.memory_space<hbm>>) dst(%arg11 : memref<128x128xf32, #tpu.memory_space<vmem>>)
      %add3A_94 = arith.constant 1 : i32
      %add3A_95 = arith.addi %add3A_67, %add3A_94 : i32
      %lt3A = arith.constant 39 : i32
      %lt3A_96 = arith.cmpi slt, %add3A_95, %lt3A : i32
      %convert_element_type3A = arith.extui %lt3A_96 : i1 to i32
      %cond3A = arith.constant 0 : i32
      %cond3A_97 = arith.cmpi ne, %convert_element_type3A, %cond3A : i32
      scf.if %cond3A_97 {
        %add3A_131 = arith.constant 2 : i32
        %add3A_132 = arith.addi %mul3A_69, %add3A_131 : i32
        %add3A_133 = arith.addi %mul3A_4, %add3A_132 : i32
        %dma_start3A_134 = arith.constant 0 : i32
        %dma_start3A_135 = tpu.memref_slice %arg3[%add3A_133, %dma_start3A_134] : memref<2528x128xi32, #tpu.memory_space<hbm>> -> memref<1x128xi32, #tpu.memory_space<hbm>>
        %dma_start3A_136 = tpu.memref_squeeze %dma_start3A_135 : memref<1x128xi32, #tpu.memory_space<hbm>> -> memref<128xi32, #tpu.memory_space<hbm>>
        %dma_start3A_137 = arith.constant 0 : i32
        %dma_start3A_138 = tpu.memref_slice %arg3[%add3A_133, %dma_start3A_137] : memref<2528x128xi32, #tpu.memory_space<hbm>> -> memref<1x128xi32, #tpu.memory_space<hbm>>
        %dma_start3A_139 = tpu.memref_squeeze %dma_start3A_138 : memref<1x128xi32, #tpu.memory_space<hbm>> -> memref<128xi32, #tpu.memory_space<hbm>>
        tpu.enqueue_dma source(%dma_start3A_139 : memref<128xi32, #tpu.memory_space<hbm>>) target(%arg7 : memref<128xi32, #tpu.memory_space<vmem>>) target_semaphore(%arg18 : memref<!tpu.dma_semaphore, #tpu.memory_space<semaphore_mem>>)
      } else {
      }
      %add3A_98 = arith.addi %mul3A_4, %mul3A_69 : i32
      %dma_wait3A_99 = arith.constant 0 : i32
      %dma_wait3A_100 = tpu.memref_slice %arg4[%add3A_98, %dma_wait3A_99] : memref<2528x128xi32, #tpu.memory_space<hbm>> -> memref<1x128xi32, #tpu.memory_space<hbm>>
      %dma_wait3A_101 = tpu.memref_squeeze %dma_wait3A_100 : memref<1x128xi32, #tpu.memory_space<hbm>> -> memref<128xi32, #tpu.memory_space<hbm>>
      %dma_wait3A_102 = arith.constant 0 : i32
      %dma_wait3A_103 = tpu.memref_slice %arg4[%add3A_98, %dma_wait3A_102] : memref<2528x128xi32, #tpu.memory_space<hbm>> -> memref<1x128xi32, #tpu.memory_space<hbm>>
      %dma_wait3A_104 = tpu.memref_squeeze %dma_wait3A_103 : memref<1x128xi32, #tpu.memory_space<hbm>> -> memref<128xi32, #tpu.memory_space<hbm>>
      tpu.wait_dma2 semaphore(%arg16 : memref<!tpu.dma_semaphore, #tpu.memory_space<semaphore_mem>>) src(%dma_wait3A_104 : memref<128xi32, #tpu.memory_space<hbm>>) dst(%arg9 : memref<128xi32, #tpu.memory_space<vmem>>)
      "tpu.region"() ({
        %run_scoped3A = tpu.sem_alloc : memref<!tpu.dma_semaphore, #tpu.memory_space<semaphore_mem>>
        %dma_start3A_131 = arith.constant 0 : i32
        %dma_start3A_132 = arith.constant 0 : i32
        %dma_start3A_133 = tpu.memref_slice %arg13[%dma_start3A_131, %dma_start3A_132] : memref<10240x128xf32, #tpu.memory_space<vmem_shared>> -> memref<10240x128xf32, #tpu.memory_space<vmem_shared>>
        tpu.enqueue_indirect_dma source(%arg11 : memref<128x128xf32, #tpu.memory_space<vmem>>) target(%dma_start3A_133 : memref<10240x128xf32, #tpu.memory_space<vmem_shared>>) offsets(%arg9 : memref<128xi32, #tpu.memory_space<vmem>>) semaphore(%run_scoped3A : memref<!tpu.dma_semaphore, #tpu.memory_space<semaphore_mem>>) {add = true}
        %dma_wait3A_134 = arith.constant 0 : i32
        %dma_wait3A_135 = arith.constant 0 : i32
        %dma_wait3A_136 = tpu.memref_slice %arg13[%dma_wait3A_134, %dma_wait3A_135] : memref<10240x128xf32, #tpu.memory_space<vmem_shared>> -> memref<10240x128xf32, #tpu.memory_space<vmem_shared>>
        tpu.wait_indirect_dma semaphore(%run_scoped3A : memref<!tpu.dma_semaphore, #tpu.memory_space<semaphore_mem>>) src(%arg11 : memref<128x128xf32, #tpu.memory_space<vmem>>) dst(%dma_wait3A_136 : memref<10240x128xf32, #tpu.memory_space<vmem_shared>>)
        tpu.yield
      }) : () -> ()
      %add3A_105 = arith.constant 1 : i32
      %add3A_106 = arith.addi %add3A_67, %add3A_105 : i32
      %lt3A_107 = arith.constant 39 : i32
      %lt3A_108 = arith.cmpi slt, %add3A_106, %lt3A_107 : i32
      %convert_element_type3A_109 = arith.extui %lt3A_108 : i1 to i32
      %cond3A_110 = arith.constant 0 : i32
      %cond3A_111 = arith.cmpi ne, %convert_element_type3A_109, %cond3A_110 : i32
      scf.if %cond3A_111 {
        %add3A_131 = arith.constant 2 : i32
        %add3A_132 = arith.addi %mul3A_69, %add3A_131 : i32
        %add3A_133 = arith.addi %mul3A_4, %add3A_132 : i32
        %dma_start3A_134 = arith.constant 0 : i32
        %dma_start3A_135 = tpu.memref_slice %arg4[%add3A_133, %dma_start3A_134] : memref<2528x128xi32, #tpu.memory_space<hbm>> -> memref<1x128xi32, #tpu.memory_space<hbm>>
        %dma_start3A_136 = tpu.memref_squeeze %dma_start3A_135 : memref<1x128xi32, #tpu.memory_space<hbm>> -> memref<128xi32, #tpu.memory_space<hbm>>
        %dma_start3A_137 = arith.constant 0 : i32
        %dma_start3A_138 = tpu.memref_slice %arg4[%add3A_133, %dma_start3A_137] : memref<2528x128xi32, #tpu.memory_space<hbm>> -> memref<1x128xi32, #tpu.memory_space<hbm>>
        %dma_start3A_139 = tpu.memref_squeeze %dma_start3A_138 : memref<1x128xi32, #tpu.memory_space<hbm>> -> memref<128xi32, #tpu.memory_space<hbm>>
        tpu.enqueue_dma source(%dma_start3A_139 : memref<128xi32, #tpu.memory_space<hbm>>) target(%arg9 : memref<128xi32, #tpu.memory_space<vmem>>) target_semaphore(%arg16 : memref<!tpu.dma_semaphore, #tpu.memory_space<semaphore_mem>>)
      } else {
      }
      %dma_wait3A_112 = arith.constant 0 : i32
      %dma_wait3A_113 = arith.constant 0 : i32
      %dma_wait3A_114 = tpu.memref_slice %arg2[%dma_wait3A_112, %dma_wait3A_113] : memref<10240x128xf32, #tpu.memory_space<hbm>> -> memref<10240x128xf32, #tpu.memory_space<hbm>>
      tpu.wait_indirect_dma semaphore(%arg15 : memref<!tpu.dma_semaphore, #tpu.memory_space<semaphore_mem>>) src(%dma_wait3A_114 : memref<10240x128xf32, #tpu.memory_space<hbm>>) dst(%arg12 : memref<128x128xf32, #tpu.memory_space<vmem>>)
      %add3A_115 = arith.constant 1 : i32
      %add3A_116 = arith.addi %add3A_67, %add3A_115 : i32
      %lt3A_117 = arith.constant 39 : i32
      %lt3A_118 = arith.cmpi slt, %add3A_116, %lt3A_117 : i32
      %convert_element_type3A_119 = arith.extui %lt3A_118 : i1 to i32
      %cond3A_120 = arith.constant 0 : i32
      %cond3A_121 = arith.cmpi ne, %convert_element_type3A_119, %cond3A_120 : i32
      scf.if %cond3A_121 {
        %add3A_131 = arith.constant 2 : i32
        %add3A_132 = arith.addi %mul3A_69, %add3A_131 : i32
        %add3A_133 = arith.addi %mul3A_4, %add3A_132 : i32
        %dma_wait3A_134 = arith.constant 0 : i32
        %dma_wait3A_135 = tpu.memref_slice %arg3[%add3A_133, %dma_wait3A_134] : memref<2528x128xi32, #tpu.memory_space<hbm>> -> memref<1x128xi32, #tpu.memory_space<hbm>>
        %dma_wait3A_136 = tpu.memref_squeeze %dma_wait3A_135 : memref<1x128xi32, #tpu.memory_space<hbm>> -> memref<128xi32, #tpu.memory_space<hbm>>
        %dma_wait3A_137 = arith.constant 0 : i32
        %dma_wait3A_138 = tpu.memref_slice %arg3[%add3A_133, %dma_wait3A_137] : memref<2528x128xi32, #tpu.memory_space<hbm>> -> memref<1x128xi32, #tpu.memory_space<hbm>>
        %dma_wait3A_139 = tpu.memref_squeeze %dma_wait3A_138 : memref<1x128xi32, #tpu.memory_space<hbm>> -> memref<128xi32, #tpu.memory_space<hbm>>
        tpu.wait_dma2 semaphore(%arg18 : memref<!tpu.dma_semaphore, #tpu.memory_space<semaphore_mem>>) src(%dma_wait3A_139 : memref<128xi32, #tpu.memory_space<hbm>>) dst(%arg7 : memref<128xi32, #tpu.memory_space<vmem>>)
        %dma_start3A_140 = arith.constant 0 : i32
        %dma_start3A_141 = arith.constant 0 : i32
        %dma_start3A_142 = tpu.memref_slice %arg2[%dma_start3A_140, %dma_start3A_141] : memref<10240x128xf32, #tpu.memory_space<hbm>> -> memref<10240x128xf32, #tpu.memory_space<hbm>>
        tpu.enqueue_indirect_dma source(%dma_start3A_142 : memref<10240x128xf32, #tpu.memory_space<hbm>>) target(%arg11 : memref<128x128xf32, #tpu.memory_space<vmem>>) offsets(%arg7 : memref<128xi32, #tpu.memory_space<vmem>>) semaphore(%arg14 : memref<!tpu.dma_semaphore, #tpu.memory_space<semaphore_mem>>)
        %add3A_143 = arith.constant 3 : i32
        %add3A_144 = arith.addi %mul3A_69, %add3A_143 : i32
        %add3A_145 = arith.addi %mul3A_4, %add3A_144 : i32
        %dma_start3A_146 = arith.constant 0 : i32
        %dma_start3A_147 = tpu.memref_slice %arg3[%add3A_145, %dma_start3A_146] : memref<2528x128xi32, #tpu.memory_space<hbm>> -> memref<1x128xi32, #tpu.memory_space<hbm>>
        %dma_start3A_148 = tpu.memref_squeeze %dma_start3A_147 : memref<1x128xi32, #tpu.memory_space<hbm>> -> memref<128xi32, #tpu.memory_space<hbm>>
        %dma_start3A_149 = arith.constant 0 : i32
        %dma_start3A_150 = tpu.memref_slice %arg3[%add3A_145, %dma_start3A_149] : memref<2528x128xi32, #tpu.memory_space<hbm>> -> memref<1x128xi32, #tpu.memory_space<hbm>>
        %dma_start3A_151 = tpu.memref_squeeze %dma_start3A_150 : memref<1x128xi32, #tpu.memory_space<hbm>> -> memref<128xi32, #tpu.memory_space<hbm>>
        tpu.enqueue_dma source(%dma_start3A_151 : memref<128xi32, #tpu.memory_space<hbm>>) target(%arg8 : memref<128xi32, #tpu.memory_space<vmem>>) target_semaphore(%arg19 : memref<!tpu.dma_semaphore, #tpu.memory_space<semaphore_mem>>)
      } else {
      }
      %add3A_122 = arith.constant 1 : i32
      %add3A_123 = arith.addi %mul3A_69, %add3A_122 : i32
      %add3A_124 = arith.addi %mul3A_4, %add3A_123 : i32
      %dma_wait3A_125 = arith.constant 0 : i32
      %dma_wait3A_126 = tpu.memref_slice %arg4[%add3A_124, %dma_wait3A_125] : memref<2528x128xi32, #tpu.memory_space<hbm>> -> memref<1x128xi32, #tpu.memory_space<hbm>>
      %dma_wait3A_127 = tpu.memref_squeeze %dma_wait3A_126 : memref<1x128xi32, #tpu.memory_space<hbm>> -> memref<128xi32, #tpu.memory_space<hbm>>
      %dma_wait3A_128 = arith.constant 0 : i32
      %dma_wait3A_129 = tpu.memref_slice %arg4[%add3A_124, %dma_wait3A_128] : memref<2528x128xi32, #tpu.memory_space<hbm>> -> memref<1x128xi32, #tpu.memory_space<hbm>>
      %dma_wait3A_130 = tpu.memref_squeeze %dma_wait3A_129 : memref<1x128xi32, #tpu.memory_space<hbm>> -> memref<128xi32, #tpu.memory_space<hbm>>
      tpu.wait_dma2 semaphore(%arg17 : memref<!tpu.dma_semaphore, #tpu.memory_space<semaphore_mem>>) src(%dma_wait3A_130 : memref<128xi32, #tpu.memory_space<hbm>>) dst(%arg10 : memref<128xi32, #tpu.memory_space<vmem>>)
      "tpu.region"() ({
        %run_scoped3A = tpu.sem_alloc : memref<!tpu.dma_semaphore, #tpu.memory_space<semaphore_mem>>
        %dma_start3A_131 = arith.constant 0 : i32
        %dma_start3A_132 = arith.constant 0 : i32
        %dma_start3A_133 = tpu.memref_slice %arg13[%dma_start3A_131, %dma_start3A_132] : memref<10240x128xf32, #tpu.memory_space<vmem_shared>> -> memref<10240x128xf32, #tpu.memory_space<vmem_shared>>
        tpu.enqueue_indirect_dma source(%arg12 : memref<128x128xf32, #tpu.memory_space<vmem>>) target(%dma_start3A_133 : memref<10240x128xf32, #tpu.memory_space<vmem_shared>>) offsets(%arg10 : memref<128xi32, #tpu.memory_space<vmem>>) semaphore(%run_scoped3A : memref<!tpu.dma_semaphore, #tpu.memory_space<semaphore_mem>>) {add = true}
        %dma_wait3A_134 = arith.constant 0 : i32
        %dma_wait3A_135 = arith.constant 0 : i32
        %dma_wait3A_136 = tpu.memref_slice %arg13[%dma_wait3A_134, %dma_wait3A_135] : memref<10240x128xf32, #tpu.memory_space<vmem_shared>> -> memref<10240x128xf32, #tpu.memory_space<vmem_shared>>
        tpu.wait_indirect_dma semaphore(%run_scoped3A : memref<!tpu.dma_semaphore, #tpu.memory_space<semaphore_mem>>) src(%arg12 : memref<128x128xf32, #tpu.memory_space<vmem>>) dst(%dma_wait3A_136 : memref<10240x128xf32, #tpu.memory_space<vmem_shared>>)
        tpu.yield
      }) : () -> ()
    }
    %scan3A_51 = arith.constant 39 : i32
    %barrier3A_52 = arith.constant 0 : index
    tpu.barrier barrier_id(%barrier3A_52)
    %add3A_53 = arith.constant 0 : i32
    %add3A_54 = arith.addi %mul3A_2, %add3A_53 : i32
    "tpu.region"() ({
      %run_scoped3A = tpu.sem_alloc : memref<!tpu.dma_semaphore, #tpu.memory_space<semaphore_mem>>
      %dma_start3A_63 = arith.constant 0 : i32
      %dma_start3A_64 = tpu.memref_slice %arg13[%add3A_54, %dma_start3A_63] : memref<10240x128xf32, #tpu.memory_space<vmem_shared>> -> memref<128x128xf32, #tpu.memory_space<vmem_shared>>
      %dma_start3A_65 = arith.constant 0 : i32
      %dma_start3A_66 = tpu.memref_slice %arg13[%add3A_54, %dma_start3A_65] : memref<10240x128xf32, #tpu.memory_space<vmem_shared>> -> memref<128x128xf32, #tpu.memory_space<vmem_shared>>
      tpu.enqueue_dma source(%dma_start3A_66 : memref<128x128xf32, #tpu.memory_space<vmem_shared>>) target(%arg11 : memref<128x128xf32, #tpu.memory_space<vmem>>) target_semaphore(%run_scoped3A : memref<!tpu.dma_semaphore, #tpu.memory_space<semaphore_mem>>)
      %dma_wait3A_67 = arith.constant 0 : i32
      %dma_wait3A_68 = tpu.memref_slice %arg13[%add3A_54, %dma_wait3A_67] : memref<10240x128xf32, #tpu.memory_space<vmem_shared>> -> memref<128x128xf32, #tpu.memory_space<vmem_shared>>
      %dma_wait3A_69 = arith.constant 0 : i32
      %dma_wait3A_70 = tpu.memref_slice %arg13[%add3A_54, %dma_wait3A_69] : memref<10240x128xf32, #tpu.memory_space<vmem_shared>> -> memref<128x128xf32, #tpu.memory_space<vmem_shared>>
      tpu.wait_dma2 semaphore(%run_scoped3A : memref<!tpu.dma_semaphore, #tpu.memory_space<semaphore_mem>>) src(%dma_wait3A_70 : memref<128x128xf32, #tpu.memory_space<vmem_shared>>) dst(%arg11 : memref<128x128xf32, #tpu.memory_space<vmem>>)
      tpu.yield
    }) : () -> ()
    "tpu.region"() ({
      %run_scoped3A = tpu.sem_alloc : memref<!tpu.dma_semaphore, #tpu.memory_space<semaphore_mem>>
      %dma_start3A_63 = arith.constant 0 : i32
      %dma_start3A_64 = tpu.memref_slice %arg6[%arg0, %add3A_54, %dma_start3A_63] : memref<2x10240x128xf32, #tpu.memory_space<hbm>> -> memref<1x128x128xf32, #tpu.memory_space<hbm>>
      %dma_start3A_65 = tpu.memref_squeeze %dma_start3A_64 : memref<1x128x128xf32, #tpu.memory_space<hbm>> -> memref<128x128xf32, #tpu.memory_space<hbm>>
      %dma_start3A_66 = arith.constant 0 : i32
      %dma_start3A_67 = tpu.memref_slice %arg6[%arg0, %add3A_54, %dma_start3A_66] : memref<2x10240x128xf32, #tpu.memory_space<hbm>> -> memref<1x128x128xf32, #tpu.memory_space<hbm>>
      %dma_start3A_68 = tpu.memref_squeeze %dma_start3A_67 : memref<1x128x128xf32, #tpu.memory_space<hbm>> -> memref<128x128xf32, #tpu.memory_space<hbm>>
      tpu.enqueue_dma source(%arg11 : memref<128x128xf32, #tpu.memory_space<vmem>>) target(%dma_start3A_68 : memref<128x128xf32, #tpu.memory_space<hbm>>) target_semaphore(%run_scoped3A : memref<!tpu.dma_semaphore, #tpu.memory_space<semaphore_mem>>)
      %dma_wait3A_69 = arith.constant 0 : i32
      %dma_wait3A_70 = tpu.memref_slice %arg6[%arg0, %add3A_54, %dma_wait3A_69] : memref<2x10240x128xf32, #tpu.memory_space<hbm>> -> memref<1x128x128xf32, #tpu.memory_space<hbm>>
      %dma_wait3A_71 = tpu.memref_squeeze %dma_wait3A_70 : memref<1x128x128xf32, #tpu.memory_space<hbm>> -> memref<128x128xf32, #tpu.memory_space<hbm>>
      %dma_wait3A_72 = arith.constant 0 : i32
      %dma_wait3A_73 = tpu.memref_slice %arg6[%arg0, %add3A_54, %dma_wait3A_72] : memref<2x10240x128xf32, #tpu.memory_space<hbm>> -> memref<1x128x128xf32, #tpu.memory_space<hbm>>
      %dma_wait3A_74 = tpu.memref_squeeze %dma_wait3A_73 : memref<1x128x128xf32, #tpu.memory_space<hbm>> -> memref<128x128xf32, #tpu.memory_space<hbm>>
      tpu.wait_dma2 semaphore(%run_scoped3A : memref<!tpu.dma_semaphore, #tpu.memory_space<semaphore_mem>>) src(%arg11 : memref<128x128xf32, #tpu.memory_space<vmem>>) dst(%dma_wait3A_74 : memref<128x128xf32, #tpu.memory_space<hbm>>)
      tpu.yield
    }) : () -> ()
    %add3A_55 = arith.constant 128 : i32
    %add3A_56 = arith.addi %mul3A_2, %add3A_55 : i32
    "tpu.region"() ({
      %run_scoped3A = tpu.sem_alloc : memref<!tpu.dma_semaphore, #tpu.memory_space<semaphore_mem>>
      %dma_start3A_63 = arith.constant 0 : i32
      %dma_start3A_64 = tpu.memref_slice %arg13[%add3A_56, %dma_start3A_63] : memref<10240x128xf32, #tpu.memory_space<vmem_shared>> -> memref<128x128xf32, #tpu.memory_space<vmem_shared>>
      %dma_start3A_65 = arith.constant 0 : i32
      %dma_start3A_66 = tpu.memref_slice %arg13[%add3A_56, %dma_start3A_65] : memref<10240x128xf32, #tpu.memory_space<vmem_shared>> -> memref<128x128xf32, #tpu.memory_space<vmem_shared>>
      tpu.enqueue_dma source(%dma_start3A_66 : memref<128x128xf32, #tpu.memory_space<vmem_shared>>) target(%arg11 : memref<128x128xf32, #tpu.memory_space<vmem>>) target_semaphore(%run_scoped3A : memref<!tpu.dma_semaphore, #tpu.memory_space<semaphore_mem>>)
      %dma_wait3A_67 = arith.constant 0 : i32
      %dma_wait3A_68 = tpu.memref_slice %arg13[%add3A_56, %dma_wait3A_67] : memref<10240x128xf32, #tpu.memory_space<vmem_shared>> -> memref<128x128xf32, #tpu.memory_space<vmem_shared>>
      %dma_wait3A_69 = arith.constant 0 : i32
      %dma_wait3A_70 = tpu.memref_slice %arg13[%add3A_56, %dma_wait3A_69] : memref<10240x128xf32, #tpu.memory_space<vmem_shared>> -> memref<128x128xf32, #tpu.memory_space<vmem_shared>>
      tpu.wait_dma2 semaphore(%run_scoped3A : memref<!tpu.dma_semaphore, #tpu.memory_space<semaphore_mem>>) src(%dma_wait3A_70 : memref<128x128xf32, #tpu.memory_space<vmem_shared>>) dst(%arg11 : memref<128x128xf32, #tpu.memory_space<vmem>>)
      tpu.yield
    }) : () -> ()
    "tpu.region"() ({
      %run_scoped3A = tpu.sem_alloc : memref<!tpu.dma_semaphore, #tpu.memory_space<semaphore_mem>>
      %dma_start3A_63 = arith.constant 0 : i32
      %dma_start3A_64 = tpu.memref_slice %arg6[%arg0, %add3A_56, %dma_start3A_63] : memref<2x10240x128xf32, #tpu.memory_space<hbm>> -> memref<1x128x128xf32, #tpu.memory_space<hbm>>
      %dma_start3A_65 = tpu.memref_squeeze %dma_start3A_64 : memref<1x128x128xf32, #tpu.memory_space<hbm>> -> memref<128x128xf32, #tpu.memory_space<hbm>>
      %dma_start3A_66 = arith.constant 0 : i32
      %dma_start3A_67 = tpu.memref_slice %arg6[%arg0, %add3A_56, %dma_start3A_66] : memref<2x10240x128xf32, #tpu.memory_space<hbm>> -> memref<1x128x128xf32, #tpu.memory_space<hbm>>
      %dma_start3A_68 = tpu.memref_squeeze %dma_start3A_67 : memref<1x128x128xf32, #tpu.memory_space<hbm>> -> memref<128x128xf32, #tpu.memory_space<hbm>>
      tpu.enqueue_dma source(%arg11 : memref<128x128xf32, #tpu.memory_space<vmem>>) target(%dma_start3A_68 : memref<128x128xf32, #tpu.memory_space<hbm>>) target_semaphore(%run_scoped3A : memref<!tpu.dma_semaphore, #tpu.memory_space<semaphore_mem>>)
      %dma_wait3A_69 = arith.constant 0 : i32
      %dma_wait3A_70 = tpu.memref_slice %arg6[%arg0, %add3A_56, %dma_wait3A_69] : memref<2x10240x128xf32, #tpu.memory_space<hbm>> -> memref<1x128x128xf32, #tpu.memory_space<hbm>>
      %dma_wait3A_71 = tpu.memref_squeeze %dma_wait3A_70 : memref<1x128x128xf32, #tpu.memory_space<hbm>> -> memref<128x128xf32, #tpu.memory_space<hbm>>
      %dma_wait3A_72 = arith.constant 0 : i32
      %dma_wait3A_73 = tpu.memref_slice %arg6[%arg0, %add3A_56, %dma_wait3A_72] : memref<2x10240x128xf32, #tpu.memory_space<hbm>> -> memref<1x128x128xf32, #tpu.memory_space<hbm>>
      %dma_wait3A_74 = tpu.memref_squeeze %dma_wait3A_73 : memref<1x128x128xf32, #tpu.memory_space<hbm>> -> memref<128x128xf32, #tpu.memory_space<hbm>>
      tpu.wait_dma2 semaphore(%run_scoped3A : memref<!tpu.dma_semaphore, #tpu.memory_space<semaphore_mem>>) src(%arg11 : memref<128x128xf32, #tpu.memory_space<vmem>>) dst(%dma_wait3A_74 : memref<128x128xf32, #tpu.memory_space<hbm>>)
      tpu.yield
    }) : () -> ()
    %add3A_57 = arith.constant 256 : i32
    %add3A_58 = arith.addi %mul3A_2, %add3A_57 : i32
    "tpu.region"() ({
      %run_scoped3A = tpu.sem_alloc : memref<!tpu.dma_semaphore, #tpu.memory_space<semaphore_mem>>
      %dma_start3A_63 = arith.constant 0 : i32
      %dma_start3A_64 = tpu.memref_slice %arg13[%add3A_58, %dma_start3A_63] : memref<10240x128xf32, #tpu.memory_space<vmem_shared>> -> memref<128x128xf32, #tpu.memory_space<vmem_shared>>
      %dma_start3A_65 = arith.constant 0 : i32
      %dma_start3A_66 = tpu.memref_slice %arg13[%add3A_58, %dma_start3A_65] : memref<10240x128xf32, #tpu.memory_space<vmem_shared>> -> memref<128x128xf32, #tpu.memory_space<vmem_shared>>
      tpu.enqueue_dma source(%dma_start3A_66 : memref<128x128xf32, #tpu.memory_space<vmem_shared>>) target(%arg11 : memref<128x128xf32, #tpu.memory_space<vmem>>) target_semaphore(%run_scoped3A : memref<!tpu.dma_semaphore, #tpu.memory_space<semaphore_mem>>)
      %dma_wait3A_67 = arith.constant 0 : i32
      %dma_wait3A_68 = tpu.memref_slice %arg13[%add3A_58, %dma_wait3A_67] : memref<10240x128xf32, #tpu.memory_space<vmem_shared>> -> memref<128x128xf32, #tpu.memory_space<vmem_shared>>
      %dma_wait3A_69 = arith.constant 0 : i32
      %dma_wait3A_70 = tpu.memref_slice %arg13[%add3A_58, %dma_wait3A_69] : memref<10240x128xf32, #tpu.memory_space<vmem_shared>> -> memref<128x128xf32, #tpu.memory_space<vmem_shared>>
      tpu.wait_dma2 semaphore(%run_scoped3A : memref<!tpu.dma_semaphore, #tpu.memory_space<semaphore_mem>>) src(%dma_wait3A_70 : memref<128x128xf32, #tpu.memory_space<vmem_shared>>) dst(%arg11 : memref<128x128xf32, #tpu.memory_space<vmem>>)
      tpu.yield
    }) : () -> ()
    "tpu.region"() ({
      %run_scoped3A = tpu.sem_alloc : memref<!tpu.dma_semaphore, #tpu.memory_space<semaphore_mem>>
      %dma_start3A_63 = arith.constant 0 : i32
      %dma_start3A_64 = tpu.memref_slice %arg6[%arg0, %add3A_58, %dma_start3A_63] : memref<2x10240x128xf32, #tpu.memory_space<hbm>> -> memref<1x128x128xf32, #tpu.memory_space<hbm>>
      %dma_start3A_65 = tpu.memref_squeeze %dma_start3A_64 : memref<1x128x128xf32, #tpu.memory_space<hbm>> -> memref<128x128xf32, #tpu.memory_space<hbm>>
      %dma_start3A_66 = arith.constant 0 : i32
      %dma_start3A_67 = tpu.memref_slice %arg6[%arg0, %add3A_58, %dma_start3A_66] : memref<2x10240x128xf32, #tpu.memory_space<hbm>> -> memref<1x128x128xf32, #tpu.memory_space<hbm>>
      %dma_start3A_68 = tpu.memref_squeeze %dma_start3A_67 : memref<1x128x128xf32, #tpu.memory_space<hbm>> -> memref<128x128xf32, #tpu.memory_space<hbm>>
      tpu.enqueue_dma source(%arg11 : memref<128x128xf32, #tpu.memory_space<vmem>>) target(%dma_start3A_68 : memref<128x128xf32, #tpu.memory_space<hbm>>) target_semaphore(%run_scoped3A : memref<!tpu.dma_semaphore, #tpu.memory_space<semaphore_mem>>)
      %dma_wait3A_69 = arith.constant 0 : i32
      %dma_wait3A_70 = tpu.memref_slice %arg6[%arg0, %add3A_58, %dma_wait3A_69] : memref<2x10240x128xf32, #tpu.memory_space<hbm>> -> memref<1x128x128xf32, #tpu.memory_space<hbm>>
      %dma_wait3A_71 = tpu.memref_squeeze %dma_wait3A_70 : memref<1x128x128xf32, #tpu.memory_space<hbm>> -> memref<128x128xf32, #tpu.memory_space<hbm>>
      %dma_wait3A_72 = arith.constant 0 : i32
      %dma_wait3A_73 = tpu.memref_slice %arg6[%arg0, %add3A_58, %dma_wait3A_72] : memref<2x10240x128xf32, #tpu.memory_space<hbm>> -> memref<1x128x128xf32, #tpu.memory_space<hbm>>
      %dma_wait3A_74 = tpu.memref_squeeze %dma_wait3A_73 : memref<1x128x128xf32, #tpu.memory_space<hbm>> -> memref<128x128xf32, #tpu.memory_space<hbm>>
      tpu.wait_dma2 semaphore(%run_scoped3A : memref<!tpu.dma_semaphore, #tpu.memory_space<semaphore_mem>>) src(%arg11 : memref<128x128xf32, #tpu.memory_space<vmem>>) dst(%dma_wait3A_74 : memref<128x128xf32, #tpu.memory_space<hbm>>)
      tpu.yield
    }) : () -> ()
    %add3A_59 = arith.constant 384 : i32
    %add3A_60 = arith.addi %mul3A_2, %add3A_59 : i32
    "tpu.region"() ({
      %run_scoped3A = tpu.sem_alloc : memref<!tpu.dma_semaphore, #tpu.memory_space<semaphore_mem>>
      %dma_start3A_63 = arith.constant 0 : i32
      %dma_start3A_64 = tpu.memref_slice %arg13[%add3A_60, %dma_start3A_63] : memref<10240x128xf32, #tpu.memory_space<vmem_shared>> -> memref<128x128xf32, #tpu.memory_space<vmem_shared>>
      %dma_start3A_65 = arith.constant 0 : i32
      %dma_start3A_66 = tpu.memref_slice %arg13[%add3A_60, %dma_start3A_65] : memref<10240x128xf32, #tpu.memory_space<vmem_shared>> -> memref<128x128xf32, #tpu.memory_space<vmem_shared>>
      tpu.enqueue_dma source(%dma_start3A_66 : memref<128x128xf32, #tpu.memory_space<vmem_shared>>) target(%arg11 : memref<128x128xf32, #tpu.memory_space<vmem>>) target_semaphore(%run_scoped3A : memref<!tpu.dma_semaphore, #tpu.memory_space<semaphore_mem>>)
      %dma_wait3A_67 = arith.constant 0 : i32
      %dma_wait3A_68 = tpu.memref_slice %arg13[%add3A_60, %dma_wait3A_67] : memref<10240x128xf32, #tpu.memory_space<vmem_shared>> -> memref<128x128xf32, #tpu.memory_space<vmem_shared>>
      %dma_wait3A_69 = arith.constant 0 : i32
      %dma_wait3A_70 = tpu.memref_slice %arg13[%add3A_60, %dma_wait3A_69] : memref<10240x128xf32, #tpu.memory_space<vmem_shared>> -> memref<128x128xf32, #tpu.memory_space<vmem_shared>>
      tpu.wait_dma2 semaphore(%run_scoped3A : memref<!tpu.dma_semaphore, #tpu.memory_space<semaphore_mem>>) src(%dma_wait3A_70 : memref<128x128xf32, #tpu.memory_space<vmem_shared>>) dst(%arg11 : memref<128x128xf32, #tpu.memory_space<vmem>>)
      tpu.yield
    }) : () -> ()
    "tpu.region"() ({
      %run_scoped3A = tpu.sem_alloc : memref<!tpu.dma_semaphore, #tpu.memory_space<semaphore_mem>>
      %dma_start3A_63 = arith.constant 0 : i32
      %dma_start3A_64 = tpu.memref_slice %arg6[%arg0, %add3A_60, %dma_start3A_63] : memref<2x10240x128xf32, #tpu.memory_space<hbm>> -> memref<1x128x128xf32, #tpu.memory_space<hbm>>
      %dma_start3A_65 = tpu.memref_squeeze %dma_start3A_64 : memref<1x128x128xf32, #tpu.memory_space<hbm>> -> memref<128x128xf32, #tpu.memory_space<hbm>>
      %dma_start3A_66 = arith.constant 0 : i32
      %dma_start3A_67 = tpu.memref_slice %arg6[%arg0, %add3A_60, %dma_start3A_66] : memref<2x10240x128xf32, #tpu.memory_space<hbm>> -> memref<1x128x128xf32, #tpu.memory_space<hbm>>
      %dma_start3A_68 = tpu.memref_squeeze %dma_start3A_67 : memref<1x128x128xf32, #tpu.memory_space<hbm>> -> memref<128x128xf32, #tpu.memory_space<hbm>>
      tpu.enqueue_dma source(%arg11 : memref<128x128xf32, #tpu.memory_space<vmem>>) target(%dma_start3A_68 : memref<128x128xf32, #tpu.memory_space<hbm>>) target_semaphore(%run_scoped3A : memref<!tpu.dma_semaphore, #tpu.memory_space<semaphore_mem>>)
      %dma_wait3A_69 = arith.constant 0 : i32
      %dma_wait3A_70 = tpu.memref_slice %arg6[%arg0, %add3A_60, %dma_wait3A_69] : memref<2x10240x128xf32, #tpu.memory_space<hbm>> -> memref<1x128x128xf32, #tpu.memory_space<hbm>>
      %dma_wait3A_71 = tpu.memref_squeeze %dma_wait3A_70 : memref<1x128x128xf32, #tpu.memory_space<hbm>> -> memref<128x128xf32, #tpu.memory_space<hbm>>
      %dma_wait3A_72 = arith.constant 0 : i32
      %dma_wait3A_73 = tpu.memref_slice %arg6[%arg0, %add3A_60, %dma_wait3A_72] : memref<2x10240x128xf32, #tpu.memory_space<hbm>> -> memref<1x128x128xf32, #tpu.memory_space<hbm>>
      %dma_wait3A_74 = tpu.memref_squeeze %dma_wait3A_73 : memref<1x128x128xf32, #tpu.memory_space<hbm>> -> memref<128x128xf32, #tpu.memory_space<hbm>>
      tpu.wait_dma2 semaphore(%run_scoped3A : memref<!tpu.dma_semaphore, #tpu.memory_space<semaphore_mem>>) src(%arg11 : memref<128x128xf32, #tpu.memory_space<vmem>>) dst(%dma_wait3A_74 : memref<128x128xf32, #tpu.memory_space<hbm>>)
      tpu.yield
    }) : () -> ()
    %add3A_61 = arith.constant 512 : i32
    %add3A_62 = arith.addi %mul3A_2, %add3A_61 : i32
    "tpu.region"() ({
      %run_scoped3A = tpu.sem_alloc : memref<!tpu.dma_semaphore, #tpu.memory_space<semaphore_mem>>
      %dma_start3A_63 = arith.constant 0 : i32
      %dma_start3A_64 = tpu.memref_slice %arg13[%add3A_62, %dma_start3A_63] : memref<10240x128xf32, #tpu.memory_space<vmem_shared>> -> memref<128x128xf32, #tpu.memory_space<vmem_shared>>
      %dma_start3A_65 = arith.constant 0 : i32
      %dma_start3A_66 = tpu.memref_slice %arg13[%add3A_62, %dma_start3A_65] : memref<10240x128xf32, #tpu.memory_space<vmem_shared>> -> memref<128x128xf32, #tpu.memory_space<vmem_shared>>
      tpu.enqueue_dma source(%dma_start3A_66 : memref<128x128xf32, #tpu.memory_space<vmem_shared>>) target(%arg11 : memref<128x128xf32, #tpu.memory_space<vmem>>) target_semaphore(%run_scoped3A : memref<!tpu.dma_semaphore, #tpu.memory_space<semaphore_mem>>)
      %dma_wait3A_67 = arith.constant 0 : i32
      %dma_wait3A_68 = tpu.memref_slice %arg13[%add3A_62, %dma_wait3A_67] : memref<10240x128xf32, #tpu.memory_space<vmem_shared>> -> memref<128x128xf32, #tpu.memory_space<vmem_shared>>
      %dma_wait3A_69 = arith.constant 0 : i32
      %dma_wait3A_70 = tpu.memref_slice %arg13[%add3A_62, %dma_wait3A_69] : memref<10240x128xf32, #tpu.memory_space<vmem_shared>> -> memref<128x128xf32, #tpu.memory_space<vmem_shared>>
      tpu.wait_dma2 semaphore(%run_scoped3A : memref<!tpu.dma_semaphore, #tpu.memory_space<semaphore_mem>>) src(%dma_wait3A_70 : memref<128x128xf32, #tpu.memory_space<vmem_shared>>) dst(%arg11 : memref<128x128xf32, #tpu.memory_space<vmem>>)
      tpu.yield
    }) : () -> ()
    "tpu.region"() ({
      %run_scoped3A = tpu.sem_alloc : memref<!tpu.dma_semaphore, #tpu.memory_space<semaphore_mem>>
      %dma_start3A_63 = arith.constant 0 : i32
      %dma_start3A_64 = tpu.memref_slice %arg6[%arg0, %add3A_62, %dma_start3A_63] : memref<2x10240x128xf32, #tpu.memory_space<hbm>> -> memref<1x128x128xf32, #tpu.memory_space<hbm>>
      %dma_start3A_65 = tpu.memref_squeeze %dma_start3A_64 : memref<1x128x128xf32, #tpu.memory_space<hbm>> -> memref<128x128xf32, #tpu.memory_space<hbm>>
      %dma_start3A_66 = arith.constant 0 : i32
      %dma_start3A_67 = tpu.memref_slice %arg6[%arg0, %add3A_62, %dma_start3A_66] : memref<2x10240x128xf32, #tpu.memory_space<hbm>> -> memref<1x128x128xf32, #tpu.memory_space<hbm>>
      %dma_start3A_68 = tpu.memref_squeeze %dma_start3A_67 : memref<1x128x128xf32, #tpu.memory_space<hbm>> -> memref<128x128xf32, #tpu.memory_space<hbm>>
      tpu.enqueue_dma source(%arg11 : memref<128x128xf32, #tpu.memory_space<vmem>>) target(%dma_start3A_68 : memref<128x128xf32, #tpu.memory_space<hbm>>) target_semaphore(%run_scoped3A : memref<!tpu.dma_semaphore, #tpu.memory_space<semaphore_mem>>)
      %dma_wait3A_69 = arith.constant 0 : i32
      %dma_wait3A_70 = tpu.memref_slice %arg6[%arg0, %add3A_62, %dma_wait3A_69] : memref<2x10240x128xf32, #tpu.memory_space<hbm>> -> memref<1x128x128xf32, #tpu.memory_space<hbm>>
      %dma_wait3A_71 = tpu.memref_squeeze %dma_wait3A_70 : memref<1x128x128xf32, #tpu.memory_space<hbm>> -> memref<128x128xf32, #tpu.memory_space<hbm>>
      %dma_wait3A_72 = arith.constant 0 : i32
      %dma_wait3A_73 = tpu.memref_slice %arg6[%arg0, %add3A_62, %dma_wait3A_72] : memref<2x10240x128xf32, #tpu.memory_space<hbm>> -> memref<1x128x128xf32, #tpu.memory_space<hbm>>
      %dma_wait3A_74 = tpu.memref_squeeze %dma_wait3A_73 : memref<1x128x128xf32, #tpu.memory_space<hbm>> -> memref<128x128xf32, #tpu.memory_space<hbm>>
      tpu.wait_dma2 semaphore(%run_scoped3A : memref<!tpu.dma_semaphore, #tpu.memory_space<semaphore_mem>>) src(%arg11 : memref<128x128xf32, #tpu.memory_space<vmem>>) dst(%dma_wait3A_74 : memref<128x128xf32, #tpu.memory_space<hbm>>)
      tpu.yield
    }) : () -> ()
    return
  }
}

#map = affine_map<(d0, d1) -> (0, 0)>
#map1 = affine_map<(d0, d1) -> (0, 0, 0)>
module attributes {stable_mosaic.version = 14 : i64} {
  func.func @body(%arg0: i32, %arg1: i32, %arg2: memref<2528x128xi32, #tpu.memory_space<hbm>>, %arg3: memref<128x128xf32, #tpu.memory_space<hbm>>, %arg4: memref<128x128xf32, #tpu.memory_space<hbm>>, %arg5: memref<2x10240x128xf32, #tpu.memory_space<hbm>>, %arg6: memref<128xi32, #tpu.memory_space<vmem>>, %arg7: memref<128x128xf32, #tpu.memory_space<vmem>>, %arg8: memref<128x128xf32, #tpu.memory_space<vmem>>, %arg9: memref<10240x128xf32, #tpu.memory_space<vmem_shared>>) attributes {dimension_semantics = [#tpu.dimension_semantics<core_parallel>, #tpu.dimension_semantics<subcore_parallel>], iteration_bounds = array<i64: 2, 16>, scalar_prefetch = 0 : i64, scratch_operands = 4 : i64, tpu.core_type = #tpu.core_type<sc_vector_subcore>, window_params = [{transform_indices = #map}, {transform_indices = #map}, {transform_indices = #map}, {transform_indices = #map1}]} {
    %mul3A = arith.constant 2 : i32
    %mul3A_0 = arith.muli %arg1, %mul3A : i32
    %add3A = arith.addi %mul3A_0, %arg0 : i32
    %mul3A_1 = arith.constant 640 : i32
    %mul3A_2 = arith.muli %arg1, %mul3A_1 : i32
    "tpu.region"() ({
      %run_scoped3A = tpu.sem_alloc : memref<!tpu.dma_semaphore, #tpu.memory_space<semaphore_mem>>
      tpu.enqueue_dma source(%arg3 : memref<128x128xf32, #tpu.memory_space<hbm>>) target(%arg7 : memref<128x128xf32, #tpu.memory_space<vmem>>) target_semaphore(%run_scoped3A : memref<!tpu.dma_semaphore, #tpu.memory_space<semaphore_mem>>)
      tpu.wait_dma2 semaphore(%run_scoped3A : memref<!tpu.dma_semaphore, #tpu.memory_space<semaphore_mem>>) src(%arg3 : memref<128x128xf32, #tpu.memory_space<hbm>>) dst(%arg7 : memref<128x128xf32, #tpu.memory_space<vmem>>)
      tpu.yield
    }) : () -> ()
    "tpu.region"() ({
      %run_scoped3A = tpu.sem_alloc : memref<!tpu.dma_semaphore, #tpu.memory_space<semaphore_mem>>
      tpu.enqueue_dma source(%arg4 : memref<128x128xf32, #tpu.memory_space<hbm>>) target(%arg8 : memref<128x128xf32, #tpu.memory_space<vmem>>) target_semaphore(%run_scoped3A : memref<!tpu.dma_semaphore, #tpu.memory_space<semaphore_mem>>)
      tpu.wait_dma2 semaphore(%run_scoped3A : memref<!tpu.dma_semaphore, #tpu.memory_space<semaphore_mem>>) src(%arg4 : memref<128x128xf32, #tpu.memory_space<hbm>>) dst(%arg8 : memref<128x128xf32, #tpu.memory_space<vmem>>)
      tpu.yield
    }) : () -> ()
    %add3A_3 = arith.constant 0 : i32
    %add3A_4 = arith.addi %mul3A_2, %add3A_3 : i32
    "tpu.region"() ({
      %run_scoped3A = tpu.sem_alloc : memref<!tpu.dma_semaphore, #tpu.memory_space<semaphore_mem>>
      %dma_start3A = arith.constant 0 : i32
      %dma_start3A_30 = tpu.memref_slice %arg9[%add3A_4, %dma_start3A] : memref<10240x128xf32, #tpu.memory_space<vmem_shared>> -> memref<128x128xf32, #tpu.memory_space<vmem_shared>>
      %dma_start3A_31 = arith.constant 0 : i32
      %dma_start3A_32 = tpu.memref_slice %arg9[%add3A_4, %dma_start3A_31] : memref<10240x128xf32, #tpu.memory_space<vmem_shared>> -> memref<128x128xf32, #tpu.memory_space<vmem_shared>>
      tpu.enqueue_dma source(%arg8 : memref<128x128xf32, #tpu.memory_space<vmem>>) target(%dma_start3A_32 : memref<128x128xf32, #tpu.memory_space<vmem_shared>>) target_semaphore(%run_scoped3A : memref<!tpu.dma_semaphore, #tpu.memory_space<semaphore_mem>>)
      %dma_wait3A = arith.constant 0 : i32
      %dma_wait3A_33 = tpu.memref_slice %arg9[%add3A_4, %dma_wait3A] : memref<10240x128xf32, #tpu.memory_space<vmem_shared>> -> memref<128x128xf32, #tpu.memory_space<vmem_shared>>
      %dma_wait3A_34 = arith.constant 0 : i32
      %dma_wait3A_35 = tpu.memref_slice %arg9[%add3A_4, %dma_wait3A_34] : memref<10240x128xf32, #tpu.memory_space<vmem_shared>> -> memref<128x128xf32, #tpu.memory_space<vmem_shared>>
      tpu.wait_dma2 semaphore(%run_scoped3A : memref<!tpu.dma_semaphore, #tpu.memory_space<semaphore_mem>>) src(%arg8 : memref<128x128xf32, #tpu.memory_space<vmem>>) dst(%dma_wait3A_35 : memref<128x128xf32, #tpu.memory_space<vmem_shared>>)
      tpu.yield
    }) : () -> ()
    %add3A_5 = arith.constant 128 : i32
    %add3A_6 = arith.addi %mul3A_2, %add3A_5 : i32
    "tpu.region"() ({
      %run_scoped3A = tpu.sem_alloc : memref<!tpu.dma_semaphore, #tpu.memory_space<semaphore_mem>>
      %dma_start3A = arith.constant 0 : i32
      %dma_start3A_30 = tpu.memref_slice %arg9[%add3A_6, %dma_start3A] : memref<10240x128xf32, #tpu.memory_space<vmem_shared>> -> memref<128x128xf32, #tpu.memory_space<vmem_shared>>
      %dma_start3A_31 = arith.constant 0 : i32
      %dma_start3A_32 = tpu.memref_slice %arg9[%add3A_6, %dma_start3A_31] : memref<10240x128xf32, #tpu.memory_space<vmem_shared>> -> memref<128x128xf32, #tpu.memory_space<vmem_shared>>
      tpu.enqueue_dma source(%arg8 : memref<128x128xf32, #tpu.memory_space<vmem>>) target(%dma_start3A_32 : memref<128x128xf32, #tpu.memory_space<vmem_shared>>) target_semaphore(%run_scoped3A : memref<!tpu.dma_semaphore, #tpu.memory_space<semaphore_mem>>)
      %dma_wait3A = arith.constant 0 : i32
      %dma_wait3A_33 = tpu.memref_slice %arg9[%add3A_6, %dma_wait3A] : memref<10240x128xf32, #tpu.memory_space<vmem_shared>> -> memref<128x128xf32, #tpu.memory_space<vmem_shared>>
      %dma_wait3A_34 = arith.constant 0 : i32
      %dma_wait3A_35 = tpu.memref_slice %arg9[%add3A_6, %dma_wait3A_34] : memref<10240x128xf32, #tpu.memory_space<vmem_shared>> -> memref<128x128xf32, #tpu.memory_space<vmem_shared>>
      tpu.wait_dma2 semaphore(%run_scoped3A : memref<!tpu.dma_semaphore, #tpu.memory_space<semaphore_mem>>) src(%arg8 : memref<128x128xf32, #tpu.memory_space<vmem>>) dst(%dma_wait3A_35 : memref<128x128xf32, #tpu.memory_space<vmem_shared>>)
      tpu.yield
    }) : () -> ()
    %add3A_7 = arith.constant 256 : i32
    %add3A_8 = arith.addi %mul3A_2, %add3A_7 : i32
    "tpu.region"() ({
      %run_scoped3A = tpu.sem_alloc : memref<!tpu.dma_semaphore, #tpu.memory_space<semaphore_mem>>
      %dma_start3A = arith.constant 0 : i32
      %dma_start3A_30 = tpu.memref_slice %arg9[%add3A_8, %dma_start3A] : memref<10240x128xf32, #tpu.memory_space<vmem_shared>> -> memref<128x128xf32, #tpu.memory_space<vmem_shared>>
      %dma_start3A_31 = arith.constant 0 : i32
      %dma_start3A_32 = tpu.memref_slice %arg9[%add3A_8, %dma_start3A_31] : memref<10240x128xf32, #tpu.memory_space<vmem_shared>> -> memref<128x128xf32, #tpu.memory_space<vmem_shared>>
      tpu.enqueue_dma source(%arg8 : memref<128x128xf32, #tpu.memory_space<vmem>>) target(%dma_start3A_32 : memref<128x128xf32, #tpu.memory_space<vmem_shared>>) target_semaphore(%run_scoped3A : memref<!tpu.dma_semaphore, #tpu.memory_space<semaphore_mem>>)
      %dma_wait3A = arith.constant 0 : i32
      %dma_wait3A_33 = tpu.memref_slice %arg9[%add3A_8, %dma_wait3A] : memref<10240x128xf32, #tpu.memory_space<vmem_shared>> -> memref<128x128xf32, #tpu.memory_space<vmem_shared>>
      %dma_wait3A_34 = arith.constant 0 : i32
      %dma_wait3A_35 = tpu.memref_slice %arg9[%add3A_8, %dma_wait3A_34] : memref<10240x128xf32, #tpu.memory_space<vmem_shared>> -> memref<128x128xf32, #tpu.memory_space<vmem_shared>>
      tpu.wait_dma2 semaphore(%run_scoped3A : memref<!tpu.dma_semaphore, #tpu.memory_space<semaphore_mem>>) src(%arg8 : memref<128x128xf32, #tpu.memory_space<vmem>>) dst(%dma_wait3A_35 : memref<128x128xf32, #tpu.memory_space<vmem_shared>>)
      tpu.yield
    }) : () -> ()
    %add3A_9 = arith.constant 384 : i32
    %add3A_10 = arith.addi %mul3A_2, %add3A_9 : i32
    "tpu.region"() ({
      %run_scoped3A = tpu.sem_alloc : memref<!tpu.dma_semaphore, #tpu.memory_space<semaphore_mem>>
      %dma_start3A = arith.constant 0 : i32
      %dma_start3A_30 = tpu.memref_slice %arg9[%add3A_10, %dma_start3A] : memref<10240x128xf32, #tpu.memory_space<vmem_shared>> -> memref<128x128xf32, #tpu.memory_space<vmem_shared>>
      %dma_start3A_31 = arith.constant 0 : i32
      %dma_start3A_32 = tpu.memref_slice %arg9[%add3A_10, %dma_start3A_31] : memref<10240x128xf32, #tpu.memory_space<vmem_shared>> -> memref<128x128xf32, #tpu.memory_space<vmem_shared>>
      tpu.enqueue_dma source(%arg8 : memref<128x128xf32, #tpu.memory_space<vmem>>) target(%dma_start3A_32 : memref<128x128xf32, #tpu.memory_space<vmem_shared>>) target_semaphore(%run_scoped3A : memref<!tpu.dma_semaphore, #tpu.memory_space<semaphore_mem>>)
      %dma_wait3A = arith.constant 0 : i32
      %dma_wait3A_33 = tpu.memref_slice %arg9[%add3A_10, %dma_wait3A] : memref<10240x128xf32, #tpu.memory_space<vmem_shared>> -> memref<128x128xf32, #tpu.memory_space<vmem_shared>>
      %dma_wait3A_34 = arith.constant 0 : i32
      %dma_wait3A_35 = tpu.memref_slice %arg9[%add3A_10, %dma_wait3A_34] : memref<10240x128xf32, #tpu.memory_space<vmem_shared>> -> memref<128x128xf32, #tpu.memory_space<vmem_shared>>
      tpu.wait_dma2 semaphore(%run_scoped3A : memref<!tpu.dma_semaphore, #tpu.memory_space<semaphore_mem>>) src(%arg8 : memref<128x128xf32, #tpu.memory_space<vmem>>) dst(%dma_wait3A_35 : memref<128x128xf32, #tpu.memory_space<vmem_shared>>)
      tpu.yield
    }) : () -> ()
    %add3A_11 = arith.constant 512 : i32
    %add3A_12 = arith.addi %mul3A_2, %add3A_11 : i32
    "tpu.region"() ({
      %run_scoped3A = tpu.sem_alloc : memref<!tpu.dma_semaphore, #tpu.memory_space<semaphore_mem>>
      %dma_start3A = arith.constant 0 : i32
      %dma_start3A_30 = tpu.memref_slice %arg9[%add3A_12, %dma_start3A] : memref<10240x128xf32, #tpu.memory_space<vmem_shared>> -> memref<128x128xf32, #tpu.memory_space<vmem_shared>>
      %dma_start3A_31 = arith.constant 0 : i32
      %dma_start3A_32 = tpu.memref_slice %arg9[%add3A_12, %dma_start3A_31] : memref<10240x128xf32, #tpu.memory_space<vmem_shared>> -> memref<128x128xf32, #tpu.memory_space<vmem_shared>>
      tpu.enqueue_dma source(%arg8 : memref<128x128xf32, #tpu.memory_space<vmem>>) target(%dma_start3A_32 : memref<128x128xf32, #tpu.memory_space<vmem_shared>>) target_semaphore(%run_scoped3A : memref<!tpu.dma_semaphore, #tpu.memory_space<semaphore_mem>>)
      %dma_wait3A = arith.constant 0 : i32
      %dma_wait3A_33 = tpu.memref_slice %arg9[%add3A_12, %dma_wait3A] : memref<10240x128xf32, #tpu.memory_space<vmem_shared>> -> memref<128x128xf32, #tpu.memory_space<vmem_shared>>
      %dma_wait3A_34 = arith.constant 0 : i32
      %dma_wait3A_35 = tpu.memref_slice %arg9[%add3A_12, %dma_wait3A_34] : memref<10240x128xf32, #tpu.memory_space<vmem_shared>> -> memref<128x128xf32, #tpu.memory_space<vmem_shared>>
      tpu.wait_dma2 semaphore(%run_scoped3A : memref<!tpu.dma_semaphore, #tpu.memory_space<semaphore_mem>>) src(%arg8 : memref<128x128xf32, #tpu.memory_space<vmem>>) dst(%dma_wait3A_35 : memref<128x128xf32, #tpu.memory_space<vmem_shared>>)
      tpu.yield
    }) : () -> ()
    %barrier3A = arith.constant 0 : index
    tpu.barrier barrier_id(%barrier3A)
    %mul3A_13 = arith.constant 79 : i32
    %mul3A_14 = arith.muli %add3A, %mul3A_13 : i32
    %scan3A = arith.constant 0 : i32
    %scan3A_15 = arith.constant 79 : i32
    %scan3A_16 = arith.addi %scan3A, %scan3A_15 : i32
    %scan3A_17 = arith.constant 1 : i32
    scf.for %scan3A_30 = %scan3A to %scan3A_16 step %scan3A_17  : i32 {
      %mul3A_31 = arith.constant 1 : i32
      %mul3A_32 = arith.muli %scan3A_30, %mul3A_31 : i32
      %add3A_33 = arith.constant 0 : i32
      %add3A_34 = arith.addi %add3A_33, %mul3A_32 : i32
      %add3A_35 = arith.addi %mul3A_14, %add3A_34 : i32
      "tpu.region"() ({
        %run_scoped3A = tpu.sem_alloc : memref<!tpu.dma_semaphore, #tpu.memory_space<semaphore_mem>>
        %dma_start3A = arith.constant 0 : i32
        %dma_start3A_36 = tpu.memref_slice %arg2[%add3A_35, %dma_start3A] : memref<2528x128xi32, #tpu.memory_space<hbm>> -> memref<1x128xi32, #tpu.memory_space<hbm>>
        %dma_start3A_37 = tpu.memref_squeeze %dma_start3A_36 : memref<1x128xi32, #tpu.memory_space<hbm>> -> memref<128xi32, #tpu.memory_space<hbm>>
        %dma_start3A_38 = arith.constant 0 : i32
        %dma_start3A_39 = tpu.memref_slice %arg2[%add3A_35, %dma_start3A_38] : memref<2528x128xi32, #tpu.memory_space<hbm>> -> memref<1x128xi32, #tpu.memory_space<hbm>>
        %dma_start3A_40 = tpu.memref_squeeze %dma_start3A_39 : memref<1x128xi32, #tpu.memory_space<hbm>> -> memref<128xi32, #tpu.memory_space<hbm>>
        tpu.enqueue_dma source(%dma_start3A_40 : memref<128xi32, #tpu.memory_space<hbm>>) target(%arg6 : memref<128xi32, #tpu.memory_space<vmem>>) target_semaphore(%run_scoped3A : memref<!tpu.dma_semaphore, #tpu.memory_space<semaphore_mem>>)
        %dma_wait3A = arith.constant 0 : i32
        %dma_wait3A_41 = tpu.memref_slice %arg2[%add3A_35, %dma_wait3A] : memref<2528x128xi32, #tpu.memory_space<hbm>> -> memref<1x128xi32, #tpu.memory_space<hbm>>
        %dma_wait3A_42 = tpu.memref_squeeze %dma_wait3A_41 : memref<1x128xi32, #tpu.memory_space<hbm>> -> memref<128xi32, #tpu.memory_space<hbm>>
        %dma_wait3A_43 = arith.constant 0 : i32
        %dma_wait3A_44 = tpu.memref_slice %arg2[%add3A_35, %dma_wait3A_43] : memref<2528x128xi32, #tpu.memory_space<hbm>> -> memref<1x128xi32, #tpu.memory_space<hbm>>
        %dma_wait3A_45 = tpu.memref_squeeze %dma_wait3A_44 : memref<1x128xi32, #tpu.memory_space<hbm>> -> memref<128xi32, #tpu.memory_space<hbm>>
        tpu.wait_dma2 semaphore(%run_scoped3A : memref<!tpu.dma_semaphore, #tpu.memory_space<semaphore_mem>>) src(%dma_wait3A_45 : memref<128xi32, #tpu.memory_space<hbm>>) dst(%arg6 : memref<128xi32, #tpu.memory_space<vmem>>)
        tpu.yield
      }) : () -> ()
      "tpu.region"() ({
        %run_scoped3A = tpu.sem_alloc : memref<!tpu.dma_semaphore, #tpu.memory_space<semaphore_mem>>
        %dma_start3A = arith.constant 0 : i32
        %dma_start3A_36 = arith.constant 0 : i32
        %dma_start3A_37 = tpu.memref_slice %arg9[%dma_start3A, %dma_start3A_36] : memref<10240x128xf32, #tpu.memory_space<vmem_shared>> -> memref<10240x128xf32, #tpu.memory_space<vmem_shared>>
        tpu.enqueue_indirect_dma source(%arg7 : memref<128x128xf32, #tpu.memory_space<vmem>>) target(%dma_start3A_37 : memref<10240x128xf32, #tpu.memory_space<vmem_shared>>) offsets(%arg6 : memref<128xi32, #tpu.memory_space<vmem>>) semaphore(%run_scoped3A : memref<!tpu.dma_semaphore, #tpu.memory_space<semaphore_mem>>) {add = true}
        %dma_wait3A = arith.constant 0 : i32
        %dma_wait3A_38 = arith.constant 0 : i32
        %dma_wait3A_39 = tpu.memref_slice %arg9[%dma_wait3A, %dma_wait3A_38] : memref<10240x128xf32, #tpu.memory_space<vmem_shared>> -> memref<10240x128xf32, #tpu.memory_space<vmem_shared>>
        tpu.wait_indirect_dma semaphore(%run_scoped3A : memref<!tpu.dma_semaphore, #tpu.memory_space<semaphore_mem>>) src(%arg7 : memref<128x128xf32, #tpu.memory_space<vmem>>) dst(%dma_wait3A_39 : memref<10240x128xf32, #tpu.memory_space<vmem_shared>>)
        tpu.yield
      }) : () -> ()
    }
    %scan3A_18 = arith.constant 79 : i32
    %barrier3A_19 = arith.constant 0 : index
    tpu.barrier barrier_id(%barrier3A_19)
    %add3A_20 = arith.constant 0 : i32
    %add3A_21 = arith.addi %mul3A_2, %add3A_20 : i32
    "tpu.region"() ({
      %run_scoped3A = tpu.sem_alloc : memref<!tpu.dma_semaphore, #tpu.memory_space<semaphore_mem>>
      %dma_start3A = arith.constant 0 : i32
      %dma_start3A_30 = tpu.memref_slice %arg9[%add3A_21, %dma_start3A] : memref<10240x128xf32, #tpu.memory_space<vmem_shared>> -> memref<128x128xf32, #tpu.memory_space<vmem_shared>>
      %dma_start3A_31 = arith.constant 0 : i32
      %dma_start3A_32 = tpu.memref_slice %arg9[%add3A_21, %dma_start3A_31] : memref<10240x128xf32, #tpu.memory_space<vmem_shared>> -> memref<128x128xf32, #tpu.memory_space<vmem_shared>>
      tpu.enqueue_dma source(%dma_start3A_32 : memref<128x128xf32, #tpu.memory_space<vmem_shared>>) target(%arg8 : memref<128x128xf32, #tpu.memory_space<vmem>>) target_semaphore(%run_scoped3A : memref<!tpu.dma_semaphore, #tpu.memory_space<semaphore_mem>>)
      %dma_wait3A = arith.constant 0 : i32
      %dma_wait3A_33 = tpu.memref_slice %arg9[%add3A_21, %dma_wait3A] : memref<10240x128xf32, #tpu.memory_space<vmem_shared>> -> memref<128x128xf32, #tpu.memory_space<vmem_shared>>
      %dma_wait3A_34 = arith.constant 0 : i32
      %dma_wait3A_35 = tpu.memref_slice %arg9[%add3A_21, %dma_wait3A_34] : memref<10240x128xf32, #tpu.memory_space<vmem_shared>> -> memref<128x128xf32, #tpu.memory_space<vmem_shared>>
      tpu.wait_dma2 semaphore(%run_scoped3A : memref<!tpu.dma_semaphore, #tpu.memory_space<semaphore_mem>>) src(%dma_wait3A_35 : memref<128x128xf32, #tpu.memory_space<vmem_shared>>) dst(%arg8 : memref<128x128xf32, #tpu.memory_space<vmem>>)
      tpu.yield
    }) : () -> ()
    "tpu.region"() ({
      %run_scoped3A = tpu.sem_alloc : memref<!tpu.dma_semaphore, #tpu.memory_space<semaphore_mem>>
      %dma_start3A = arith.constant 0 : i32
      %dma_start3A_30 = tpu.memref_slice %arg5[%arg0, %add3A_21, %dma_start3A] : memref<2x10240x128xf32, #tpu.memory_space<hbm>> -> memref<1x128x128xf32, #tpu.memory_space<hbm>>
      %dma_start3A_31 = tpu.memref_squeeze %dma_start3A_30 : memref<1x128x128xf32, #tpu.memory_space<hbm>> -> memref<128x128xf32, #tpu.memory_space<hbm>>
      %dma_start3A_32 = arith.constant 0 : i32
      %dma_start3A_33 = tpu.memref_slice %arg5[%arg0, %add3A_21, %dma_start3A_32] : memref<2x10240x128xf32, #tpu.memory_space<hbm>> -> memref<1x128x128xf32, #tpu.memory_space<hbm>>
      %dma_start3A_34 = tpu.memref_squeeze %dma_start3A_33 : memref<1x128x128xf32, #tpu.memory_space<hbm>> -> memref<128x128xf32, #tpu.memory_space<hbm>>
      tpu.enqueue_dma source(%arg8 : memref<128x128xf32, #tpu.memory_space<vmem>>) target(%dma_start3A_34 : memref<128x128xf32, #tpu.memory_space<hbm>>) target_semaphore(%run_scoped3A : memref<!tpu.dma_semaphore, #tpu.memory_space<semaphore_mem>>)
      %dma_wait3A = arith.constant 0 : i32
      %dma_wait3A_35 = tpu.memref_slice %arg5[%arg0, %add3A_21, %dma_wait3A] : memref<2x10240x128xf32, #tpu.memory_space<hbm>> -> memref<1x128x128xf32, #tpu.memory_space<hbm>>
      %dma_wait3A_36 = tpu.memref_squeeze %dma_wait3A_35 : memref<1x128x128xf32, #tpu.memory_space<hbm>> -> memref<128x128xf32, #tpu.memory_space<hbm>>
      %dma_wait3A_37 = arith.constant 0 : i32
      %dma_wait3A_38 = tpu.memref_slice %arg5[%arg0, %add3A_21, %dma_wait3A_37] : memref<2x10240x128xf32, #tpu.memory_space<hbm>> -> memref<1x128x128xf32, #tpu.memory_space<hbm>>
      %dma_wait3A_39 = tpu.memref_squeeze %dma_wait3A_38 : memref<1x128x128xf32, #tpu.memory_space<hbm>> -> memref<128x128xf32, #tpu.memory_space<hbm>>
      tpu.wait_dma2 semaphore(%run_scoped3A : memref<!tpu.dma_semaphore, #tpu.memory_space<semaphore_mem>>) src(%arg8 : memref<128x128xf32, #tpu.memory_space<vmem>>) dst(%dma_wait3A_39 : memref<128x128xf32, #tpu.memory_space<hbm>>)
      tpu.yield
    }) : () -> ()
    %add3A_22 = arith.constant 128 : i32
    %add3A_23 = arith.addi %mul3A_2, %add3A_22 : i32
    "tpu.region"() ({
      %run_scoped3A = tpu.sem_alloc : memref<!tpu.dma_semaphore, #tpu.memory_space<semaphore_mem>>
      %dma_start3A = arith.constant 0 : i32
      %dma_start3A_30 = tpu.memref_slice %arg9[%add3A_23, %dma_start3A] : memref<10240x128xf32, #tpu.memory_space<vmem_shared>> -> memref<128x128xf32, #tpu.memory_space<vmem_shared>>
      %dma_start3A_31 = arith.constant 0 : i32
      %dma_start3A_32 = tpu.memref_slice %arg9[%add3A_23, %dma_start3A_31] : memref<10240x128xf32, #tpu.memory_space<vmem_shared>> -> memref<128x128xf32, #tpu.memory_space<vmem_shared>>
      tpu.enqueue_dma source(%dma_start3A_32 : memref<128x128xf32, #tpu.memory_space<vmem_shared>>) target(%arg8 : memref<128x128xf32, #tpu.memory_space<vmem>>) target_semaphore(%run_scoped3A : memref<!tpu.dma_semaphore, #tpu.memory_space<semaphore_mem>>)
      %dma_wait3A = arith.constant 0 : i32
      %dma_wait3A_33 = tpu.memref_slice %arg9[%add3A_23, %dma_wait3A] : memref<10240x128xf32, #tpu.memory_space<vmem_shared>> -> memref<128x128xf32, #tpu.memory_space<vmem_shared>>
      %dma_wait3A_34 = arith.constant 0 : i32
      %dma_wait3A_35 = tpu.memref_slice %arg9[%add3A_23, %dma_wait3A_34] : memref<10240x128xf32, #tpu.memory_space<vmem_shared>> -> memref<128x128xf32, #tpu.memory_space<vmem_shared>>
      tpu.wait_dma2 semaphore(%run_scoped3A : memref<!tpu.dma_semaphore, #tpu.memory_space<semaphore_mem>>) src(%dma_wait3A_35 : memref<128x128xf32, #tpu.memory_space<vmem_shared>>) dst(%arg8 : memref<128x128xf32, #tpu.memory_space<vmem>>)
      tpu.yield
    }) : () -> ()
    "tpu.region"() ({
      %run_scoped3A = tpu.sem_alloc : memref<!tpu.dma_semaphore, #tpu.memory_space<semaphore_mem>>
      %dma_start3A = arith.constant 0 : i32
      %dma_start3A_30 = tpu.memref_slice %arg5[%arg0, %add3A_23, %dma_start3A] : memref<2x10240x128xf32, #tpu.memory_space<hbm>> -> memref<1x128x128xf32, #tpu.memory_space<hbm>>
      %dma_start3A_31 = tpu.memref_squeeze %dma_start3A_30 : memref<1x128x128xf32, #tpu.memory_space<hbm>> -> memref<128x128xf32, #tpu.memory_space<hbm>>
      %dma_start3A_32 = arith.constant 0 : i32
      %dma_start3A_33 = tpu.memref_slice %arg5[%arg0, %add3A_23, %dma_start3A_32] : memref<2x10240x128xf32, #tpu.memory_space<hbm>> -> memref<1x128x128xf32, #tpu.memory_space<hbm>>
      %dma_start3A_34 = tpu.memref_squeeze %dma_start3A_33 : memref<1x128x128xf32, #tpu.memory_space<hbm>> -> memref<128x128xf32, #tpu.memory_space<hbm>>
      tpu.enqueue_dma source(%arg8 : memref<128x128xf32, #tpu.memory_space<vmem>>) target(%dma_start3A_34 : memref<128x128xf32, #tpu.memory_space<hbm>>) target_semaphore(%run_scoped3A : memref<!tpu.dma_semaphore, #tpu.memory_space<semaphore_mem>>)
      %dma_wait3A = arith.constant 0 : i32
      %dma_wait3A_35 = tpu.memref_slice %arg5[%arg0, %add3A_23, %dma_wait3A] : memref<2x10240x128xf32, #tpu.memory_space<hbm>> -> memref<1x128x128xf32, #tpu.memory_space<hbm>>
      %dma_wait3A_36 = tpu.memref_squeeze %dma_wait3A_35 : memref<1x128x128xf32, #tpu.memory_space<hbm>> -> memref<128x128xf32, #tpu.memory_space<hbm>>
      %dma_wait3A_37 = arith.constant 0 : i32
      %dma_wait3A_38 = tpu.memref_slice %arg5[%arg0, %add3A_23, %dma_wait3A_37] : memref<2x10240x128xf32, #tpu.memory_space<hbm>> -> memref<1x128x128xf32, #tpu.memory_space<hbm>>
      %dma_wait3A_39 = tpu.memref_squeeze %dma_wait3A_38 : memref<1x128x128xf32, #tpu.memory_space<hbm>> -> memref<128x128xf32, #tpu.memory_space<hbm>>
      tpu.wait_dma2 semaphore(%run_scoped3A : memref<!tpu.dma_semaphore, #tpu.memory_space<semaphore_mem>>) src(%arg8 : memref<128x128xf32, #tpu.memory_space<vmem>>) dst(%dma_wait3A_39 : memref<128x128xf32, #tpu.memory_space<hbm>>)
      tpu.yield
    }) : () -> ()
    %add3A_24 = arith.constant 256 : i32
    %add3A_25 = arith.addi %mul3A_2, %add3A_24 : i32
    "tpu.region"() ({
      %run_scoped3A = tpu.sem_alloc : memref<!tpu.dma_semaphore, #tpu.memory_space<semaphore_mem>>
      %dma_start3A = arith.constant 0 : i32
      %dma_start3A_30 = tpu.memref_slice %arg9[%add3A_25, %dma_start3A] : memref<10240x128xf32, #tpu.memory_space<vmem_shared>> -> memref<128x128xf32, #tpu.memory_space<vmem_shared>>
      %dma_start3A_31 = arith.constant 0 : i32
      %dma_start3A_32 = tpu.memref_slice %arg9[%add3A_25, %dma_start3A_31] : memref<10240x128xf32, #tpu.memory_space<vmem_shared>> -> memref<128x128xf32, #tpu.memory_space<vmem_shared>>
      tpu.enqueue_dma source(%dma_start3A_32 : memref<128x128xf32, #tpu.memory_space<vmem_shared>>) target(%arg8 : memref<128x128xf32, #tpu.memory_space<vmem>>) target_semaphore(%run_scoped3A : memref<!tpu.dma_semaphore, #tpu.memory_space<semaphore_mem>>)
      %dma_wait3A = arith.constant 0 : i32
      %dma_wait3A_33 = tpu.memref_slice %arg9[%add3A_25, %dma_wait3A] : memref<10240x128xf32, #tpu.memory_space<vmem_shared>> -> memref<128x128xf32, #tpu.memory_space<vmem_shared>>
      %dma_wait3A_34 = arith.constant 0 : i32
      %dma_wait3A_35 = tpu.memref_slice %arg9[%add3A_25, %dma_wait3A_34] : memref<10240x128xf32, #tpu.memory_space<vmem_shared>> -> memref<128x128xf32, #tpu.memory_space<vmem_shared>>
      tpu.wait_dma2 semaphore(%run_scoped3A : memref<!tpu.dma_semaphore, #tpu.memory_space<semaphore_mem>>) src(%dma_wait3A_35 : memref<128x128xf32, #tpu.memory_space<vmem_shared>>) dst(%arg8 : memref<128x128xf32, #tpu.memory_space<vmem>>)
      tpu.yield
    }) : () -> ()
    "tpu.region"() ({
      %run_scoped3A = tpu.sem_alloc : memref<!tpu.dma_semaphore, #tpu.memory_space<semaphore_mem>>
      %dma_start3A = arith.constant 0 : i32
      %dma_start3A_30 = tpu.memref_slice %arg5[%arg0, %add3A_25, %dma_start3A] : memref<2x10240x128xf32, #tpu.memory_space<hbm>> -> memref<1x128x128xf32, #tpu.memory_space<hbm>>
      %dma_start3A_31 = tpu.memref_squeeze %dma_start3A_30 : memref<1x128x128xf32, #tpu.memory_space<hbm>> -> memref<128x128xf32, #tpu.memory_space<hbm>>
      %dma_start3A_32 = arith.constant 0 : i32
      %dma_start3A_33 = tpu.memref_slice %arg5[%arg0, %add3A_25, %dma_start3A_32] : memref<2x10240x128xf32, #tpu.memory_space<hbm>> -> memref<1x128x128xf32, #tpu.memory_space<hbm>>
      %dma_start3A_34 = tpu.memref_squeeze %dma_start3A_33 : memref<1x128x128xf32, #tpu.memory_space<hbm>> -> memref<128x128xf32, #tpu.memory_space<hbm>>
      tpu.enqueue_dma source(%arg8 : memref<128x128xf32, #tpu.memory_space<vmem>>) target(%dma_start3A_34 : memref<128x128xf32, #tpu.memory_space<hbm>>) target_semaphore(%run_scoped3A : memref<!tpu.dma_semaphore, #tpu.memory_space<semaphore_mem>>)
      %dma_wait3A = arith.constant 0 : i32
      %dma_wait3A_35 = tpu.memref_slice %arg5[%arg0, %add3A_25, %dma_wait3A] : memref<2x10240x128xf32, #tpu.memory_space<hbm>> -> memref<1x128x128xf32, #tpu.memory_space<hbm>>
      %dma_wait3A_36 = tpu.memref_squeeze %dma_wait3A_35 : memref<1x128x128xf32, #tpu.memory_space<hbm>> -> memref<128x128xf32, #tpu.memory_space<hbm>>
      %dma_wait3A_37 = arith.constant 0 : i32
      %dma_wait3A_38 = tpu.memref_slice %arg5[%arg0, %add3A_25, %dma_wait3A_37] : memref<2x10240x128xf32, #tpu.memory_space<hbm>> -> memref<1x128x128xf32, #tpu.memory_space<hbm>>
      %dma_wait3A_39 = tpu.memref_squeeze %dma_wait3A_38 : memref<1x128x128xf32, #tpu.memory_space<hbm>> -> memref<128x128xf32, #tpu.memory_space<hbm>>
      tpu.wait_dma2 semaphore(%run_scoped3A : memref<!tpu.dma_semaphore, #tpu.memory_space<semaphore_mem>>) src(%arg8 : memref<128x128xf32, #tpu.memory_space<vmem>>) dst(%dma_wait3A_39 : memref<128x128xf32, #tpu.memory_space<hbm>>)
      tpu.yield
    }) : () -> ()
    %add3A_26 = arith.constant 384 : i32
    %add3A_27 = arith.addi %mul3A_2, %add3A_26 : i32
    "tpu.region"() ({
      %run_scoped3A = tpu.sem_alloc : memref<!tpu.dma_semaphore, #tpu.memory_space<semaphore_mem>>
      %dma_start3A = arith.constant 0 : i32
      %dma_start3A_30 = tpu.memref_slice %arg9[%add3A_27, %dma_start3A] : memref<10240x128xf32, #tpu.memory_space<vmem_shared>> -> memref<128x128xf32, #tpu.memory_space<vmem_shared>>
      %dma_start3A_31 = arith.constant 0 : i32
      %dma_start3A_32 = tpu.memref_slice %arg9[%add3A_27, %dma_start3A_31] : memref<10240x128xf32, #tpu.memory_space<vmem_shared>> -> memref<128x128xf32, #tpu.memory_space<vmem_shared>>
      tpu.enqueue_dma source(%dma_start3A_32 : memref<128x128xf32, #tpu.memory_space<vmem_shared>>) target(%arg8 : memref<128x128xf32, #tpu.memory_space<vmem>>) target_semaphore(%run_scoped3A : memref<!tpu.dma_semaphore, #tpu.memory_space<semaphore_mem>>)
      %dma_wait3A = arith.constant 0 : i32
      %dma_wait3A_33 = tpu.memref_slice %arg9[%add3A_27, %dma_wait3A] : memref<10240x128xf32, #tpu.memory_space<vmem_shared>> -> memref<128x128xf32, #tpu.memory_space<vmem_shared>>
      %dma_wait3A_34 = arith.constant 0 : i32
      %dma_wait3A_35 = tpu.memref_slice %arg9[%add3A_27, %dma_wait3A_34] : memref<10240x128xf32, #tpu.memory_space<vmem_shared>> -> memref<128x128xf32, #tpu.memory_space<vmem_shared>>
      tpu.wait_dma2 semaphore(%run_scoped3A : memref<!tpu.dma_semaphore, #tpu.memory_space<semaphore_mem>>) src(%dma_wait3A_35 : memref<128x128xf32, #tpu.memory_space<vmem_shared>>) dst(%arg8 : memref<128x128xf32, #tpu.memory_space<vmem>>)
      tpu.yield
    }) : () -> ()
    "tpu.region"() ({
      %run_scoped3A = tpu.sem_alloc : memref<!tpu.dma_semaphore, #tpu.memory_space<semaphore_mem>>
      %dma_start3A = arith.constant 0 : i32
      %dma_start3A_30 = tpu.memref_slice %arg5[%arg0, %add3A_27, %dma_start3A] : memref<2x10240x128xf32, #tpu.memory_space<hbm>> -> memref<1x128x128xf32, #tpu.memory_space<hbm>>
      %dma_start3A_31 = tpu.memref_squeeze %dma_start3A_30 : memref<1x128x128xf32, #tpu.memory_space<hbm>> -> memref<128x128xf32, #tpu.memory_space<hbm>>
      %dma_start3A_32 = arith.constant 0 : i32
      %dma_start3A_33 = tpu.memref_slice %arg5[%arg0, %add3A_27, %dma_start3A_32] : memref<2x10240x128xf32, #tpu.memory_space<hbm>> -> memref<1x128x128xf32, #tpu.memory_space<hbm>>
      %dma_start3A_34 = tpu.memref_squeeze %dma_start3A_33 : memref<1x128x128xf32, #tpu.memory_space<hbm>> -> memref<128x128xf32, #tpu.memory_space<hbm>>
      tpu.enqueue_dma source(%arg8 : memref<128x128xf32, #tpu.memory_space<vmem>>) target(%dma_start3A_34 : memref<128x128xf32, #tpu.memory_space<hbm>>) target_semaphore(%run_scoped3A : memref<!tpu.dma_semaphore, #tpu.memory_space<semaphore_mem>>)
      %dma_wait3A = arith.constant 0 : i32
      %dma_wait3A_35 = tpu.memref_slice %arg5[%arg0, %add3A_27, %dma_wait3A] : memref<2x10240x128xf32, #tpu.memory_space<hbm>> -> memref<1x128x128xf32, #tpu.memory_space<hbm>>
      %dma_wait3A_36 = tpu.memref_squeeze %dma_wait3A_35 : memref<1x128x128xf32, #tpu.memory_space<hbm>> -> memref<128x128xf32, #tpu.memory_space<hbm>>
      %dma_wait3A_37 = arith.constant 0 : i32
      %dma_wait3A_38 = tpu.memref_slice %arg5[%arg0, %add3A_27, %dma_wait3A_37] : memref<2x10240x128xf32, #tpu.memory_space<hbm>> -> memref<1x128x128xf32, #tpu.memory_space<hbm>>
      %dma_wait3A_39 = tpu.memref_squeeze %dma_wait3A_38 : memref<1x128x128xf32, #tpu.memory_space<hbm>> -> memref<128x128xf32, #tpu.memory_space<hbm>>
      tpu.wait_dma2 semaphore(%run_scoped3A : memref<!tpu.dma_semaphore, #tpu.memory_space<semaphore_mem>>) src(%arg8 : memref<128x128xf32, #tpu.memory_space<vmem>>) dst(%dma_wait3A_39 : memref<128x128xf32, #tpu.memory_space<hbm>>)
      tpu.yield
    }) : () -> ()
    %add3A_28 = arith.constant 512 : i32
    %add3A_29 = arith.addi %mul3A_2, %add3A_28 : i32
    "tpu.region"() ({
      %run_scoped3A = tpu.sem_alloc : memref<!tpu.dma_semaphore, #tpu.memory_space<semaphore_mem>>
      %dma_start3A = arith.constant 0 : i32
      %dma_start3A_30 = tpu.memref_slice %arg9[%add3A_29, %dma_start3A] : memref<10240x128xf32, #tpu.memory_space<vmem_shared>> -> memref<128x128xf32, #tpu.memory_space<vmem_shared>>
      %dma_start3A_31 = arith.constant 0 : i32
      %dma_start3A_32 = tpu.memref_slice %arg9[%add3A_29, %dma_start3A_31] : memref<10240x128xf32, #tpu.memory_space<vmem_shared>> -> memref<128x128xf32, #tpu.memory_space<vmem_shared>>
      tpu.enqueue_dma source(%dma_start3A_32 : memref<128x128xf32, #tpu.memory_space<vmem_shared>>) target(%arg8 : memref<128x128xf32, #tpu.memory_space<vmem>>) target_semaphore(%run_scoped3A : memref<!tpu.dma_semaphore, #tpu.memory_space<semaphore_mem>>)
      %dma_wait3A = arith.constant 0 : i32
      %dma_wait3A_33 = tpu.memref_slice %arg9[%add3A_29, %dma_wait3A] : memref<10240x128xf32, #tpu.memory_space<vmem_shared>> -> memref<128x128xf32, #tpu.memory_space<vmem_shared>>
      %dma_wait3A_34 = arith.constant 0 : i32
      %dma_wait3A_35 = tpu.memref_slice %arg9[%add3A_29, %dma_wait3A_34] : memref<10240x128xf32, #tpu.memory_space<vmem_shared>> -> memref<128x128xf32, #tpu.memory_space<vmem_shared>>
      tpu.wait_dma2 semaphore(%run_scoped3A : memref<!tpu.dma_semaphore, #tpu.memory_space<semaphore_mem>>) src(%dma_wait3A_35 : memref<128x128xf32, #tpu.memory_space<vmem_shared>>) dst(%arg8 : memref<128x128xf32, #tpu.memory_space<vmem>>)
      tpu.yield
    }) : () -> ()
    "tpu.region"() ({
      %run_scoped3A = tpu.sem_alloc : memref<!tpu.dma_semaphore, #tpu.memory_space<semaphore_mem>>
      %dma_start3A = arith.constant 0 : i32
      %dma_start3A_30 = tpu.memref_slice %arg5[%arg0, %add3A_29, %dma_start3A] : memref<2x10240x128xf32, #tpu.memory_space<hbm>> -> memref<1x128x128xf32, #tpu.memory_space<hbm>>
      %dma_start3A_31 = tpu.memref_squeeze %dma_start3A_30 : memref<1x128x128xf32, #tpu.memory_space<hbm>> -> memref<128x128xf32, #tpu.memory_space<hbm>>
      %dma_start3A_32 = arith.constant 0 : i32
      %dma_start3A_33 = tpu.memref_slice %arg5[%arg0, %add3A_29, %dma_start3A_32] : memref<2x10240x128xf32, #tpu.memory_space<hbm>> -> memref<1x128x128xf32, #tpu.memory_space<hbm>>
      %dma_start3A_34 = tpu.memref_squeeze %dma_start3A_33 : memref<1x128x128xf32, #tpu.memory_space<hbm>> -> memref<128x128xf32, #tpu.memory_space<hbm>>
      tpu.enqueue_dma source(%arg8 : memref<128x128xf32, #tpu.memory_space<vmem>>) target(%dma_start3A_34 : memref<128x128xf32, #tpu.memory_space<hbm>>) target_semaphore(%run_scoped3A : memref<!tpu.dma_semaphore, #tpu.memory_space<semaphore_mem>>)
      %dma_wait3A = arith.constant 0 : i32
      %dma_wait3A_35 = tpu.memref_slice %arg5[%arg0, %add3A_29, %dma_wait3A] : memref<2x10240x128xf32, #tpu.memory_space<hbm>> -> memref<1x128x128xf32, #tpu.memory_space<hbm>>
      %dma_wait3A_36 = tpu.memref_squeeze %dma_wait3A_35 : memref<1x128x128xf32, #tpu.memory_space<hbm>> -> memref<128x128xf32, #tpu.memory_space<hbm>>
      %dma_wait3A_37 = arith.constant 0 : i32
      %dma_wait3A_38 = tpu.memref_slice %arg5[%arg0, %add3A_29, %dma_wait3A_37] : memref<2x10240x128xf32, #tpu.memory_space<hbm>> -> memref<1x128x128xf32, #tpu.memory_space<hbm>>
      %dma_wait3A_39 = tpu.memref_squeeze %dma_wait3A_38 : memref<1x128x128xf32, #tpu.memory_space<hbm>> -> memref<128x128xf32, #tpu.memory_space<hbm>>
      tpu.wait_dma2 semaphore(%run_scoped3A : memref<!tpu.dma_semaphore, #tpu.memory_space<semaphore_mem>>) src(%arg8 : memref<128x128xf32, #tpu.memory_space<vmem>>) dst(%dma_wait3A_39 : memref<128x128xf32, #tpu.memory_space<hbm>>)
      tpu.yield
    }) : () -> ()
    return
  }
}

module attributes {stable_mosaic.version = 14 : i64} {
  func.func @_combine_body(%arg0: i32, %arg1: memref<1280x128xf32, #tpu.memory_space<vmem>>, %arg2: memref<2x1280x128xf32, #tpu.memory_space<vmem>>, %arg3: memref<2x1280x128xf32, #tpu.memory_space<vmem>>, %arg4: memref<128x128xf32, #tpu.memory_space<vmem>>, %arg5: memref<128x128xf32, #tpu.memory_space<vmem>>, %arg6: memref<1x128xf32, #tpu.memory_space<vmem>>, %arg7: memref<1280x128xf32, #tpu.memory_space<vmem>>) attributes {dimension_semantics = [#tpu.dimension_semantics<arbitrary>], iteration_bounds = array<i64: 8>, scalar_prefetch = 0 : i64, scratch_operands = 0 : i64, tpu.core_type = #tpu.core_type<tc>, window_params = [{transform_indices = @transform_0, window_bounds = array<i64: 1280, 128>}, {transform_indices = @transform_1, window_bounds = array<i64: 2, 1280, 128>}, {transform_indices = @transform_2, window_bounds = array<i64: 2, 1280, 128>}, {pipeline_mode = #tpu.pipeline_mode<synchronous>, transform_indices = @transform_3, window_bounds = array<i64: 128, 128>}, {pipeline_mode = #tpu.pipeline_mode<synchronous>, transform_indices = @transform_4, window_bounds = array<i64: 128, 128>}, {pipeline_mode = #tpu.pipeline_mode<synchronous>, transform_indices = @transform_5, window_bounds = array<i64: 1, 128>}, {transform_indices = @transform_6, window_bounds = array<i64: 1280, 128>}]} {
    %get3A = arith.constant 0 : index
    %get3A_0 = arith.constant 0 : index
    %get3A_1 = arith.constant 0 : index
    %get3A_2 = vector.load %arg2[%get3A, %get3A_0, %get3A_1] : memref<2x1280x128xf32, #tpu.memory_space<vmem>>, vector<1x1280x128xf32>
    %get3A_3 = vector.shape_cast %get3A_2 : vector<1x1280x128xf32> to vector<1280x128xf32>
    %get3A_4 = arith.constant 1 : index
    %get3A_5 = arith.constant 0 : index
    %get3A_6 = arith.constant 0 : index
    %get3A_7 = vector.load %arg2[%get3A_4, %get3A_5, %get3A_6] : memref<2x1280x128xf32, #tpu.memory_space<vmem>>, vector<1x1280x128xf32>
    %get3A_8 = vector.shape_cast %get3A_7 : vector<1x1280x128xf32> to vector<1280x128xf32>
    %add3A = arith.addf %get3A_3, %get3A_8 : vector<1280x128xf32>
    %get3A_9 = arith.constant 0 : index
    %get3A_10 = arith.constant 0 : index
    %get3A_11 = arith.constant 0 : index
    %get3A_12 = vector.load %arg3[%get3A_9, %get3A_10, %get3A_11] : memref<2x1280x128xf32, #tpu.memory_space<vmem>>, vector<1x1280x1xf32>
    %get3A_13 = vector.shape_cast %get3A_12 : vector<1x1280x1xf32> to vector<1280x1xf32>
    %get3A_14 = arith.constant 1 : index
    %get3A_15 = arith.constant 0 : index
    %get3A_16 = arith.constant 0 : index
    %get3A_17 = vector.load %arg3[%get3A_14, %get3A_15, %get3A_16] : memref<2x1280x128xf32, #tpu.memory_space<vmem>>, vector<1x1280x1xf32>
    %get3A_18 = vector.shape_cast %get3A_17 : vector<1x1280x1xf32> to vector<1280x1xf32>
    %add3A_19 = arith.addf %get3A_13, %get3A_18 : vector<1280x1xf32>
    %max3A = arith.constant 1.000000e+00 : f32
    %max3A_20 = vector.broadcast %max3A : f32 to vector<1280x1xf32>
    %max3A_21 = arith.maximumf %add3A_19, %max3A_20 : vector<1280x1xf32>
    %div3A = vector.broadcast %max3A_21 : vector<1280x1xf32> to vector<1280x128xf32>
    %div3A_22 = arith.divf %add3A, %div3A : vector<1280x128xf32>
    %get3A_23 = arith.constant 0 : index
    %get3A_24 = arith.constant 0 : index
    %get3A_25 = vector.load %arg1[%get3A_23, %get3A_24] : memref<1280x128xf32, #tpu.memory_space<vmem>>, vector<1280x128xf32>
    %get3A_26 = arith.constant 0 : index
    %get3A_27 = arith.constant 0 : index
    %get3A_28 = vector.load %arg4[%get3A_26, %get3A_27] : memref<128x128xf32, #tpu.memory_space<vmem>>, vector<128x128xf32>
    %dot_general3A = arith.constant dense<0.000000e+00> : vector<1280x128xf32>
    %dot_general3A_29 = tpu.matmul %get3A_25, %get3A_28, %dot_general3A {dimension_numbers = #tpu.dot_dimension_numbers<[1], [0], [0], [1], [0, 0, 1, 1], [], []>, transpose_lhs_hint = false} : vector<1280x128xf32>, vector<128x128xf32>, vector<1280x128xf32> -> vector<1280x128xf32>
    %get3A_30 = arith.constant 0 : index
    %get3A_31 = arith.constant 0 : index
    %get3A_32 = vector.load %arg5[%get3A_30, %get3A_31] : memref<128x128xf32, #tpu.memory_space<vmem>>, vector<128x128xf32>
    %dot_general3A_33 = arith.constant dense<0.000000e+00> : vector<1280x128xf32>
    %dot_general3A_34 = tpu.matmul %div3A_22, %get3A_32, %dot_general3A_33 {dimension_numbers = #tpu.dot_dimension_numbers<[1], [0], [0], [1], [0, 0, 1, 1], [], []>, transpose_lhs_hint = false} : vector<1280x128xf32>, vector<128x128xf32>, vector<1280x128xf32> -> vector<1280x128xf32>
    %add3A_35 = arith.addf %dot_general3A_29, %dot_general3A_34 : vector<1280x128xf32>
    %get3A_36 = arith.constant 0 : index
    %get3A_37 = arith.constant 0 : index
    %get3A_38 = vector.load %arg6[%get3A_36, %get3A_37] : memref<1x128xf32, #tpu.memory_space<vmem>>, vector<1x128xf32>
    %add3A_39 = vector.broadcast %get3A_38 : vector<1x128xf32> to vector<1280x128xf32>
    %add3A_40 = arith.addf %add3A_35, %add3A_39 : vector<1280x128xf32>
    %swap3A = arith.constant 0 : index
    %swap3A_41 = arith.constant 0 : index
    %swap3A_42 = vector.load %arg7[%swap3A, %swap3A_41] : memref<1280x128xf32, #tpu.memory_space<vmem>>, vector<1280x128xf32>
    tpu.vector_store %arg7[%swap3A, %swap3A_41], %add3A_40 {strides = array<i32>} : memref<1280x128xf32, #tpu.memory_space<vmem>>, vector<1280x128xf32>,
    return
  }
  func.func @transform_0(%arg0: i32) -> (i32, i32) {
    %c0_i32 = arith.constant 0 : i32
    %c0_i32_0 = arith.constant 0 : i32
    return %arg0, %c0_i32 : i32, i32
  }
  func.func @transform_1(%arg0: i32) -> (i32, i32, i32) {
    %c0_i32 = arith.constant 0 : i32
    %c0_i32_0 = arith.constant 0 : i32
    %c0_i32_1 = arith.constant 0 : i32
    return %c0_i32, %arg0, %c0_i32_0 : i32, i32, i32
  }
  func.func @transform_2(%arg0: i32) -> (i32, i32, i32) {
    %c0_i32 = arith.constant 0 : i32
    %c0_i32_0 = arith.constant 0 : i32
    %c0_i32_1 = arith.constant 0 : i32
    return %c0_i32, %arg0, %c0_i32_0 : i32, i32, i32
  }
  func.func @transform_3(%arg0: i32) -> (i32, i32) {
    %c0_i32 = arith.constant 0 : i32
    %c0_i32_0 = arith.constant 0 : i32
    %c0_i32_1 = arith.constant 0 : i32
    return %c0_i32, %c0_i32_0 : i32, i32
  }
  func.func @transform_4(%arg0: i32) -> (i32, i32) {
    %c0_i32 = arith.constant 0 : i32
    %c0_i32_0 = arith.constant 0 : i32
    %c0_i32_1 = arith.constant 0 : i32
    return %c0_i32, %c0_i32_0 : i32, i32
  }
  func.func @transform_5(%arg0: i32) -> (i32, i32) {
    %c0_i32 = arith.constant 0 : i32
    %c0_i32_0 = arith.constant 0 : i32
    %c0_i32_1 = arith.constant 0 : i32
    return %c0_i32, %c0_i32_0 : i32, i32
  }
  func.func @transform_6(%arg0: i32) -> (i32, i32) {
    %c0_i32 = arith.constant 0 : i32
    %c0_i32_0 = arith.constant 0 : i32
    return %arg0, %c0_i32 : i32, i32
  }
}

</mosaic_0001>

<sc_bundles>
// kernel: kernel.5.cloned.1.call-start
scs
__scs_entry_jumppad:
0x0: {  	(pc) =	sbr.rel $0x88, $3  }
0x1: {  	(tag) =	ssettag $0x0;
	lr =	simm.s32 $0x1  }
0x2: {  	[smem:$0x3F9D] =	sst lr;
	_ =	strace $0xD0000000  }
0x3: {  	_ = 	snop  }
0x4: {  	_ = 	snop  }
0x5: {  	_ = 	snop  }
0x6: {  	_ = 	snop  }
0x7: {  	_ = 	snop  }
__scs_overlays_trampoline_lowered:
0x8: {  	[smem:$0x3FAC] =	sst s0  }
0x9: {  	[smem:$0x3FAD] =	sst s1  }
0xa: {  	[smem:$0x3FAE] =	sst s2  }
0xb: {  	[smem:$0x3FAF] =	sst s3  }
0xc: {  	[smem:$0x3FB0] =	sst s4  }
0xd: {  	[smem:$0x3FB1] =	sst s5  }
0xe: {  	[smem:$0x3FB2] =	sst s6  }
0xf: {  	[smem:$0x3FB3] =	sst s7  }
0x10: {  	[smem:$0x3FB4] =	sst s8  }
0x11: {  	[smem:$0x3FB5] =	sst s9;
	s0 =	simm.s32 @!p0 $0x0  }
0x12: {  	s1 =	sld [smem:$0x3F9B];
	s0 =	simm.s32 @p0 $0x1  }
0x13: {  	[smem:$0x3FB6] =	sst s0;
	s0 =	simm.s32 @!p1 $0x0  }
0x14: {  	s2 =	sld [smem:$0x3F9A];
	s0 =	simm.s32 @p1 $0x1  }
0x15: {  	[smem:$0x3FB7] =	sst s0;
	s0 =	simm.s32 @!p2 $0x0  }
0x16: {  	s3 =	sld [smem:$0x3FDB];
	s0 =	simm.s32 @p2 $0x1  }
0x17: {  	s4 =	simm.s32 $0x1BF5;
	[smem:$0x3FB9] =	sst s0  }
0x18: {  	s0 =	sld [smem:$0x3F9C];
	_ =	swait.ge [sflag:s4], $0x0  }
0x19: {  	s7 =	sld [smem:$0x3F9D]  }
0x1a: {  	s8 =	sadd.s32 $0xFFFFE003, lr  }
0x1b: {  	s9 =	sadd.s32 $0xFFFFFEF7, lr;
	s5 =	simm.s32 $0xFFFFFFFF;
	p2 =	slt.u32 s8, $0xFFFFF086  }
0x1c: {  	p1 =	slt.u32 s9, $0xF7A;
	s5 =	simm.s32 @!p2 $0x0  }
0x1d: {  	s5 =	simm.s32 @p1 $0x1;
	p0 =	seq.s32 s7, s2  }
0x1e: {  	s7 =	smul.u32 @!p0 $0xF7A, s2;
	p2 =	seq.s32 @!p0 s5, $0x0  }
0x1f: {  	s9 =	smul.u32 $0xF7A, s1;
	s8 =	simm.s32 @!p0 $0x1BF5;
	p2 =	por !p2, p0  }
0x20: {  	[sflag:s8] =	ssyncset.s32 @!p0 $0xFFFFF086;
	s6 =	sadd.s32 @!p0 s3, s7;
	s7 =	simm.s32 @!p0 $0x108  }
0x21: {  	s3 =	sadd.s32 s3, s9;
	s6 =	sadd.s32 @!p0 $0x88, s6;
	s7 =	simm.s32 @p2 $0x1082  }
0x22: {  	[simem:s7], [sflag:s8] =	dma.local @!p0 [hbm:s6], $0xF7A  }
0x23: {  	s9 =	sor.u32 $0xD0000000, s2;
	s6 =	simm.s32 $0x108;
	_ =	swait.ge @!p0 [sflag:s8], $0x0  }
0x24: {  	s3 =	sadd.s32 $0x88, s3;
	s6 =	simm.s32 @!p1 $0x1082;
	[sflag:s4] =	ssyncset.s32 $0xFFFFF086  }
0x25: {  	[simem:s6], [sflag:s4] =	dma.local [hbm:s3], $0xF7A  }
0x26: {  	[smem:$0x3F9D] =	sst s1;
	(tag) =	ssettag s2;
	_ =	strace s9  }
0x27: {  	s1 =	sld [smem:$0x3FAD]  }
0x28: {  	s2 =	sld [smem:$0x3FAE]  }
0x29: {  	s4 =	sld [smem:$0x3FB0]  }
0x2a: {  	p0 =	seq.s32 s5, $0x0;
	s5 =	sld [smem:$0x3FB1]  }
0x2b: {  	s6 =	sld [smem:$0x3FB2]  }
0x2c: {  	s7 =	sld [smem:$0x3FB3]  }
0x2d: {  	s3 =	simm.s32 $0x108;
	s8 =	sld [smem:$0x3FB4]  }
0x2e: {  	s3 =	simm.s32 @!p0 $0x1082;
	s9 =	sld [smem:$0x3FB5]  }
0x2f: {  	lr =	sadd.s32 s0, s3;
	s0 =	sld [smem:$0x3FAC]  }
0x30: {  	s3 =	sld [smem:$0x3FAF]  }
0x31: {  	[smem:$0x3FB8] =	sst s10  }
0x32: {  	s10 =	sld [smem:$0x3FB6];
	_ =	sdelay $0x3  }
0x33: {  	p0 =	seq.s32 s10, $0x1;
	s10 =	sld [smem:$0x3FB8];
	_ =	sdelay $0x3  }
0x34: {  	[smem:$0x3FB8] =	sst s10  }
0x35: {  	s10 =	sld [smem:$0x3FB7];
	_ =	sdelay $0x3  }
0x36: {  	p1 =	seq.s32 s10, $0x1;
	s10 =	sld [smem:$0x3FB8];
	_ =	sdelay $0x3  }
0x37: {  	[smem:$0x3FB8] =	sst s10  }
0x38: {  	s10 =	sld [smem:$0x3FB9]  }
0x39: {  	_ = 	snop;
	(pc) =	sbr.ind lr, $3  }
0x3a: {  	_ = 	snop  }
0x3b: {  	_ = 	snop  }
0x3c: {  	p2 =	seq.s32 s10, $0x1;
	s10 =	sld [smem:$0x3FB8]  }
0x3d: {  	_ =	shalt  }
0x3e: {  	_ =	shalt  }
0x3f: {  	_ =	shalt  }
0x40: {  	_ =	shalt  }
0x41: {  	_ =	shalt  }
0x42: {  	_ =	shalt  }
0x43: {  	_ =	shalt  }
0x44: {  	_ =	shalt  }
0x45: {  	_ =	shalt  }
0x46: {  	_ =	shalt  }
0x47: {  	_ =	shalt  }
0x48: {  	_ =	shalt  }
0x49: {  	_ =	shalt  }
0x4a: {  	_ =	shalt  }
0x4b: {  	_ =	shalt  }
0x4c: {  	_ =	shalt  }
0x4d: {  	_ =	shalt  }
0x4e: {  	_ =	shalt  }
0x4f: {  	_ =	shalt  }
0x50: {  	_ =	shalt  }
0x51: {  	_ =	shalt  }
0x52: {  	_ =	shalt  }
0x53: {  	_ =	shalt  }
0x54: {  	_ =	shalt  }
0x55: {  	_ =	shalt  }
0x56: {  	_ =	shalt  }
0x57: {  	_ =	shalt  }
0x58: {  	_ =	shalt  }
0x59: {  	_ =	shalt  }
0x5a: {  	_ =	shalt  }
0x5b: {  	_ =	shalt  }
0x5c: {  	_ =	shalt  }
0x5d: {  	_ =	shalt  }
0x5e: {  	_ =	shalt  }
0x5f: {  	_ =	shalt  }
0x60: {  	_ =	shalt  }
0x61: {  	_ =	shalt  }
0x62: {  	_ =	shalt  }
0x63: {  	_ =	shalt  }
0x64: {  	_ =	shalt  }
0x65: {  	_ =	shalt  }
0x66: {  	_ =	shalt  }
0x67: {  	_ =	shalt  }
0x68: {  	_ =	shalt  }
0x69: {  	_ =	shalt  }
0x6a: {  	_ =	shalt  }
0x6b: {  	_ =	shalt  }
0x6c: {  	_ =	shalt  }
0x6d: {  	_ =	shalt  }
0x6e: {  	_ =	shalt  }
0x6f: {  	_ =	shalt  }
0x70: {  	_ =	shalt  }
0x71: {  	_ =	shalt  }
0x72: {  	_ =	shalt  }
0x73: {  	_ =	shalt  }
0x74: {  	_ =	shalt  }
0x75: {  	_ =	shalt  }
0x76: {  	_ =	shalt  }
0x77: {  	_ =	shalt  }
0x78: {  	_ =	shalt  }
0x79: {  	_ =	shalt  }
0x7a: {  	_ =	shalt  }
0x7b: {  	_ =	shalt  }
0x7c: {  	_ =	shalt  }
0x7d: {  	_ =	shalt  }
0x7e: {  	_ =	shalt  }
0x7f: {  	_ =	shalt  }
0x80: {  	_ =	shalt  }
0x81: {  	_ =	shalt  }
0x82: {  	_ =	shalt  }
0x83: {  	_ =	shalt  }
0x84: {  	_ =	shalt  }
0x85: {  	_ =	shalt  }
0x86: {  	_ =	shalt  }
0x87: {  	_ =	shalt  }
.Lfunc_end0:
.L_simem_size_0:
called_computation_lowered:
.L_overlay_start_0:
0x88: {  	s2 =	sld [smem:$0x3FD9]  }
0x89: {  	s3 =	sld [smem:$0x3FFE];
	_ =	sdelay $0x1  }
0x8a: {  	s1 =	srdreg.scid  }
0x8b: {  	s0 =	sand.u32 $0x1, s1  }
0x8c: {  	s17 =	sshll.u32 s0, $0xA;
	s2 =	sadd.s32 s3, s2  }
0x8d: {  	s2 =	sadd.s32 s2, s17  }
0x8e: {  	[smem:$0x3FC4] =	sst s2  }
0x8f: {  	_ = 	snop  }
0x90: {  	s2 =	sld [smem:$0x3FD0];
	(tm) =	ssettm $0x1  }
0x91: {  	s18 =	sld [smem:$0x3FFB];
	_ =	sdelay $0x3  }
0x92: {  	_ =	strace s18  }
0x93: {  	s3 =	sld [smem:$0x3FFC];
	_ =	sdelay $0x3  }
0x94: {  	_ =	strace s3  }
0x95: {  	s3 =	sld [smem:$0x3FFD];
	_ =	sdelay $0x3  }
0x96: {  	_ =	strace s3  }
0x97: {  	_ =	strace $0x8FFFFFFF  }
0x98: {  	s19 =	sld [smem:$0x3FDB];
	_ =	sdelay $0x1  }
0x99: {  	s4 =	simm.s32 $_scs_section_size  }
0x9a: {  	s5 =	simm.s32 $_size__tile_overlayer_lowered;
	s6 =	simm.s32 $_tile_overlayer_lowered  }
0x9b: {  	s22 =	simm.s32 $0x1BFF;
	s21 =	sshll.u32 s6, $0x1;
	s3 =	sadd.s32 s4, s19  }
0x9c: {  	s7 =	simm.s32 $0x0;
	s20 =	sshll.u32 s5, $0x1;
	s5 =	sadd.s32 s21, s3  }
0x9d: {  	[timem:s7], [sflag:s22] =	dma.local [hbm:s5], s20  }
0x9e: {  	_ =	swait.ge [sflag:s22], s20  }
0x9f: {  	s4 =	ssub.s32 $0x0, s20;
	[sflag:s22] =	ssyncset.done $0x0  }
0xa0: {  	[sflag:s22] =	ssyncadd.s32 s4;
	_ =	sdelay $0x1  }
0xa1: {  	s23 =	simm.s32 $0x1B8B  }
0xa2: {  	_ =	swait.ge [sflag:s23], $0x1  }
0xa3: {  	[sflag:s23] =	ssyncset.done $0x0  }
0xa4: {  	s25 =	simm.s32 $0x1B8E;
	s24 =	sld [smem:$0x3FFE];
	[sflag:s23] =	ssyncadd.s32 $0xFFFFFFFF  }
0xa5: {  	s26 =	simm.s32 $execute0_lowered;
	[smem:$0x3FD2] =	sst s25  }
0xa6: {  	s5 =	sshll.u32 s26, $0x1;
	_ =	strace $0x80000046;
	[dreg:$0x1] =	wrdreg $0xFFFFFFFF  }
0xa7: {  	s28 =	simm.s32 $_size_execute0_lowered;
	s3 =	sadd.s32 s3, s5;
	[dreg:$0x0] =	wrdreg $0x0  }
0xa8: {  	s5 =	sshll.u32 s28, $0x1;
	[dreg:$0x2] =	wrdreg s3  }
0xa9: {  	[dreg:$0x3] =	wrdreg s5  }
0xaa: {  	[dreg:$0x4] =	wrdreg $0xC0  }
0xab: {  	_ =	task [dreg:s7], $0x5FFFF  }
0xac: {  	[dreg:$0x1] =	wrdreg $0xFFFFFFFF  }
0xad: {  	[dreg:$0x0] =	wrdreg $0x60  }
0xae: {  	[dreg:$0x2] =	wrdreg s24  }
0xaf: {  	[dreg:$0x3] =	wrdreg s2  }
0xb0: {  	[dreg:$0x4] =	wrdreg $0x82000  }
0xb1: {  	[dreg:$0x5] =	wrdreg $0x9  }
0xb2: {  	_ =	task.clear_ibuf [dreg:s7], $0x6FFFF;
	_ =	strace $0x90000046  }
0xb3: {  	s29 =	simm.s32 $0x9;
	_ =	strace $0x80000048  }
0xb4: {  	_ =	swait.ge [sflag:s29], $0x1  }
0xb5: {  	[sflag:s29] =	ssyncadd.s32 $0xFFFFFFFF  }
0xb6: {  	_ =	strace $0x90000048  }
0xb7: {  	_ =	sfence  }
0xb8: {  	s30 =	sld [smem:$0x0];
	_ =	sdelay $0x2  }
0xb9: {  	s31 =	sshll.u32 s1, $0xD;
	s1 =	sshrl.u32 s1, $0x2  }
0xba: {  	s3 =	sand.u32 $0x4000, s31;
	s1 =	sadd.s32 s1, s30  }
0xbb: {  	s0 =	sor.u32 s3, s0;
	s1 =	sshll.u32 s1, $0x11  }
0xbc: {  	s0 =	sor.u32 s1, s0  }
0xbd: {  	s0 =	sadd.s32 $0x8F2B, s0  }
0xbe: {  	[sflag:s0] =	ssyncadd.remote.s32 $0x1  }
0xbf: {  	_ =	sfence.sel $0xFFFF  }
0xc0: {  	[dreg:$0x0] =	wrdreg $0xFFFFFFFF;
	(pc) =	sbr.abs _section_cstart, $3  }
0xc1: {  	[dreg:$0x1] =	wrdreg $0xFFFFFFFF  }
0xc2: {  	_ =	task.clear_ibuf [dreg:s7], $0x2FFFF;
	_ =	strace $0x9FFFFFFF  }
0xc3: {  	(tm) =	ssettm $0x7FFFFFFF  }
tec
execute0_lowered:
.L_overlay_start_1:
0x0: {  	(tag) =	ssettag $0x1  }
0x1: {  	s3 =	rddreg [dreg:$0x0]  }
0x2: {  	s0 =	rddreg [dreg:$0x1]  }
0x3: {  	s1 =	rddreg [dreg:$0x2];
	s2 =	simm.s32 $0x0;
	s6 =	srdreg.scid  }
0x4: {  	s22 =	stileid.u32;
	s28 =	simm.s32 $0x80;
	s29 =	simm.s32 $0x100  }
0x5: {  	s30 =	simm.s32 $0x5;
	s31 =	simm.s32 $0x6;
	[smem:$0x7FF] =	sst s2  }
0x6: {  	s4 =	sadd.s32 $0x1400, s3;
	s5 =	sadd.s32 $0x29400, s3;
	s7 =	sadd.s32 $0x33200, s3  }
0x7: {  	s11 =	sand.u32 $0x1, s6;
	s3 =	sadd.s32 $0x33A00, s3;
	s24 =	smul.u32 $0x50000, s22  }
0x8: {  	s9 =	sshll.u32 s22, $0x1;
	s12 =	smul.u32 $0x14000, s22;
	_ =	strace $0x80000047  }
0x9: {  	[dreg:$0x4] =	wrdreg s7;
	s6 =	ssub.s32 $0x2, s11;
	s21 =	smul.u32 $0x140000, s11  }
0xa: {  	s14 =	sor.u32 s11, s9;
	s11 =	smul.u32 $0x4F, s11;
	s8 =	sshrl.u32 s6, $0x1  }
0xb: {  	s25 =	sshrl.u32 s24, $0x2;
	s15 =	sadd.s32 $0x4000, s12;
	s10 =	smul.u32 $0x2780, s14  }
0xc: {  	s16 =	sadd.s32 $0x8000, s12;
	s17 =	sadd.s32 $0xC000, s12;
	s18 =	smul.u32 $0x380, s14  }
0xd: {  	s19 =	sadd.s32 $0x10000, s12;
	s14 =	smul.u32 $0x4F0, s14;
	s13 =	ssub.s32 s6, s8  }
0xe: {  	s6 =	sadd.s32 s25, s1;
	s7 =	sadd.s32 s15, s1;
	s8 =	sadd.s32 s16, s1  }
0xf: {  	s9 =	sadd.s32 s17, s1;
	s12 =	sadd.s32 s12, s21;
	s15 =	sadd.s32 s21, s15  }
0x10: {  	s17 =	sadd.s32 s21, s17;
	s20 =	sand.u32 $0x7FC00, s10;
	s18 =	sand.u32 $0x380, s18  }
0x11: {  	s26 =	sshrl.u32 s10, $0x3;
	s10 =	sadd.s32 s19, s1;
	s12 =	sshrl.u32 s12, $0x3  }
0x12: {  	s15 =	sshrl.u32 s15, $0x3;
	s25 =	sadd.s32 s0, s14;
	s14 =	simm.s32 $0x0  }
0x13: {  	s18 =	sor.u32 s18, s20;
	s20 =	sadd.s32 s5, s26;
	s12 =	sadd.s32 s3, s12  }
0x14: {  	s18 =	sshrl.u32 s18, $0x3;
	s20 =	sadd.s32 $0x10, s20;
	[dreg:$0x8] =	wrdreg s12  }
0x15: {  	s12 =	sadd.s32 s3, s15;
	s23 =	sadd.s32 s5, s18;
	[dreg:$0x6] =	wrdreg s20  }
0x16: {  	s18 =	sadd.s32 s0, s18;
	s20 =	sadd.s32 s21, s19;
	[dreg:$0x9] =	wrdreg s12  }
0x17: {  	s19 =	smax.u32 s13, $0x1;
	s13 =	simm.s32 $0x4;
	[dreg:$0x5] =	wrdreg s23  }
0x18: {  	[dreg:$0x7] =	wrdreg s18;
	s18 =	sadd.s32 s21, s16;
	s21 =	smul.u32 $0x9E, s22  }
0x19: {  	s23 =	sshrl.u32 s17, $0x3;
	s24 =	sshrl.u32 s20, $0x3;
	s22 =	sshrl.u32 s18, $0x3  }
0x1a: {  	s20 =	sadd.s32 $0x4D0, s25;
	s25 =	simm.s32 $0x200;
	s12 =	sadd.s32 s3, s22  }
0x1b: {  	s18 =	sadd.s32 s3, s24;
	s11 =	sadd.s32 s11, s21;
	[dreg:$0xa] =	wrdreg s12  }
0x1c: {  	s12 =	sadd.s32 s3, s23;
	s11 =	sshll.u32 s11, $0x4;
	s3 =	simm.s32 $0x180  }
0x1d: {  	[dreg:$0xb] =	wrdreg s12;
	s26 =	sadd.s32 s11, s5;
	s0 =	sadd.s32 s11, s0  }
0x1e: {  	s5 =	simm.s32 $0x1;
	s11 =	simm.s32 $0x3;
	s12 =	simm.s32 $0x2  }
0x1f: {  	s21 =	sadd.s32 $0x30, s26;
	s22 =	sadd.s32 $0x20, s26;
	s23 =	sadd.s32 $0x20, s0  }
0x20: {  	s24 =	sadd.s32 $0x10, s0;
	s26 =	simm.s32 $0x7;
	s0 =	simm.s32 $0x4200  }
.LBB2_1:
0x21: {  	s15 =	rddreg [dreg:$0x4]  }
0x22: {  	[tilespmem:s25], [sflag:$0x7] =	stream.linear.gather [hbm4b:s15+s2], $0x4000, $0x38;
	[tilespmem:$0x1C200] =	vst v63  }
0x23: {  	_ =	swait.ge [sflag:s26], $0x4000  }
0x24: {  	[sflag:s26] =	ssyncset.done $0x0  }
0x25: {  	[sflag:s26] =	ssyncadd.s32 $0xFFFFC000  }
0x26: {  	[spmem:s6] =	stream.linear.scatter [tilespmem:s25], [sflag:$0x7], $0x4000, $0x38;
	[tilespmem:$0x1C200] =	vst v63  }
0x27: {  	_ =	swait.ge [sflag:s26], $0x4000  }
0x28: {  	[sflag:s26] =	ssyncset.done $0x0  }
0x29: {  	[sflag:s26] =	ssyncadd.s32 $0xFFFFC000  }
0x2a: {  	[spmem:s7] =	stream.linear.scatter [tilespmem:s25], [sflag:$0x7], $0x4000, $0x38;
	[tilespmem:$0x1C200] =	vst v63  }
0x2b: {  	_ =	swait.ge [sflag:s26], $0x4000  }
0x2c: {  	[sflag:s26] =	ssyncset.done $0x0  }
0x2d: {  	[sflag:s26] =	ssyncadd.s32 $0xFFFFC000  }
0x2e: {  	[spmem:s8] =	stream.linear.scatter [tilespmem:s25], [sflag:$0x7], $0x4000, $0x38;
	[tilespmem:$0x1C200] =	vst v63  }
0x2f: {  	_ =	swait.ge [sflag:s26], $0x4000  }
0x30: {  	[sflag:s26] =	ssyncset.done $0x0  }
0x31: {  	[sflag:s26] =	ssyncadd.s32 $0xFFFFC000  }
0x32: {  	[spmem:s9] =	stream.linear.scatter [tilespmem:s25], [sflag:$0x7], $0x4000, $0x38;
	[tilespmem:$0x1C200] =	vst v63  }
0x33: {  	_ =	swait.ge [sflag:s26], $0x4000  }
0x34: {  	[sflag:s26] =	ssyncset.done $0x0  }
0x35: {  	[sflag:s26] =	ssyncadd.s32 $0xFFFFC000  }
0x36: {  	[spmem:s10] =	stream.linear.scatter [tilespmem:s25], [sflag:$0x7], $0x4000, $0x38;
	[tilespmem:$0x1C200] =	vst v63  }
0x37: {  	_ =	swait.ge [sflag:s26], $0x4000  }
0x38: {  	[sflag:s26] =	ssyncset.done $0x0  }
0x39: {  	[sflag:s26] =	ssyncadd.s32 $0xFFFFC000  }
0x3a: {  	[bflag:$0x0] =	sbarrier.arrive $0xFFFF  }
0x3b: {  	s17 =	rddreg [dreg:$0x5]  }
0x3c: {  	[tilespmem:s2], [sflag:$0x5] =	stream.linear.gather [hbm4b:s17+s2], $0x80, $0x38;
	[tilespmem:$0x1C200] =	vst v63  }
0x3d: {  	s16 =	rddreg [dreg:$0x6]  }
0x3e: {  	[tilespmem:s28], [sflag:$0x6] =	stream.linear.gather [hbm4b:s16+s2], $0x80, $0x38;
	[tilespmem:$0x1C200] =	vst v63  }
0x3f: {  	s17 =	rddreg [dreg:$0x7]  }
0x40: {  	[tilespmem:s29], [sflag:$0x3] =	stream.linear.gather [hbm4b:s17+s2], $0x80, $0x38;
	[tilespmem:$0x1C200] =	vst v63  }
0x41: {  	_ =	swait.ge [sflag:s30], $0x80  }
0x42: {  	[sflag:s30] =	ssyncset.done $0x0  }
0x43: {  	[sflag:s30] =	ssyncadd.s32 $0xFFFFFF80  }
0x44: {  	[tilespmem:s25], [sflag:$0x1] =	stream.indirect.gather [hbm4b:s4+s28], $0x80, s2, s28, $0xb8;
	[tilespmem:$0x1C200] =	vst v63  }
0x45: {  	_ =	swait.ge [sflag:s31], $0x80  }
0x46: {  	[sflag:s31] =	ssyncset.done $0x0  }
0x47: {  	[sflag:s31] =	ssyncadd.s32 $0xFFFFFF80  }
0x48: {  	[tilespmem:s0], [sflag:$0x2] =	stream.indirect.gather [hbm4b:s4+s28], $0x80, s28, s28, $0xb8;
	[tilespmem:$0x1C200] =	vst v63  }
0x49: {  	s16 =	sadd.s32 $0x0, s24  }
0x4a: {  	[tilespmem:s3], [sflag:$0x4] =	stream.linear.gather [hbm4b:s16+s2], $0x80, $0x38;
	[tilespmem:$0x1C200] =	vst v63  }
0x4b: {  	_ =	swait.ge [sflag:s5], $0x4000  }
0x4c: {  	[sflag:s5] =	ssyncset.done $0x0  }
0x4d: {  	s17 =	sadd.s32 $0x0, s22;
	[sflag:s5] =	ssyncadd.s32 $0xFFFFC000  }
0x4e: {  	[tilespmem:s2], [sflag:$0x5] =	stream.linear.gather [hbm4b:s17+s2], $0x80, $0x38;
	[tilespmem:$0x1C200] =	vst v63  }
0x4f: {  	_ =	swait.ge [sflag:s11], $0x80  }
0x50: {  	[sflag:s11] =	ssyncset.done $0x0  }
0x51: {  	[sflag:s11] =	ssyncadd.s32 $0xFFFFFF80  }
0x52: {  	[spmem:s1] =	stream.indirect.scatter.add.f32 [tilespmem:s25], [sflag:$0x7], $0x80, s29, s28, $0xb8;
	[tilespmem:$0x1C200] =	vst v63  }
0x53: {  	_ =	swait.ge [sflag:s26], $0x4000  }
0x54: {  	[sflag:s26] =	ssyncset.done $0x0  }
0x55: {  	s16 =	sadd.s32 $0x0, s23;
	[sflag:s26] =	ssyncadd.s32 $0xFFFFC000  }
0x56: {  	[tilespmem:s29], [sflag:$0x3] =	stream.linear.gather [hbm4b:s16+s2], $0x80, $0x38;
	[tilespmem:$0x1C200] =	vst v63  }
0x57: {  	_ =	swait.ge [sflag:s12], $0x4000  }
0x58: {  	[sflag:s12] =	ssyncset.done $0x0  }
0x59: {  	[sflag:s12] =	ssyncadd.s32 $0xFFFFC000  }
0x5a: {  	_ =	swait.ge [sflag:s30], $0x80  }
0x5b: {  	[sflag:s30] =	ssyncset.done $0x0  }
0x5c: {  	[sflag:s30] =	ssyncadd.s32 $0xFFFFFF80  }
0x5d: {  	[tilespmem:s25], [sflag:$0x1] =	stream.indirect.gather [hbm4b:s4+s28], $0x80, s2, s28, $0xb8;
	[tilespmem:$0x1C200] =	vst v63  }
0x5e: {  	s17 =	sadd.s32 $0x0, s21  }
0x5f: {  	[tilespmem:s28], [sflag:$0x6] =	stream.linear.gather [hbm4b:s17+s2], $0x80, $0x38;
	[tilespmem:$0x1C200] =	vst v63  }
0x60: {  	_ =	swait.ge [sflag:s13], $0x80  }
0x61: {  	[sflag:s13] =	ssyncset.done $0x0  }
0x62: {  	[sflag:s13] =	ssyncadd.s32 $0xFFFFFF80  }
0x63: {  	[spmem:s1] =	stream.indirect.scatter.add.f32 [tilespmem:s0], [sflag:$0x7], $0x80, s3, s28, $0xb8;
	[tilespmem:$0x1C200] =	vst v63  }
0x64: {  	_ =	swait.ge [sflag:s26], $0x4000  }
0x65: {  	s15 =	simm.s32 $0x20;
	[sflag:s26] =	ssyncset.done $0x0  }
.LBB2_2:
0x66: {  	p0 =	sne.s32 s15, $0x4A0  }
0x67: {  	[sflag:s26] =	ssyncadd.s32 $0xFFFFC000;
	s16 =	smov.u32 s15;
	s15 =	sadd.s32 $0x20, s15  }
0x68: {  	_ =	swait.ge [sflag:s31], $0x80  }
0x69: {  	[sflag:s31] =	ssyncset.done $0x0  }
0x6a: {  	[sflag:s31] =	ssyncadd.s32 $0xFFFFFF80  }
0x6b: {  	[tilespmem:s0], [sflag:$0x2] =	stream.indirect.gather [hbm4b:s4+s28], $0x80, s28, s28, $0xb8;
	[tilespmem:$0x1C200] =	vst v63  }
0x6c: {  	s17 =	sadd.s32 s16, s24  }
0x6d: {  	[tilespmem:s3], [sflag:$0x4] =	stream.linear.gather [hbm4b:s17+s2], $0x80, $0x38;
	[tilespmem:$0x1C200] =	vst v63  }
0x6e: {  	_ =	swait.ge [sflag:s5], $0x4000  }
0x6f: {  	[sflag:s5] =	ssyncset.done $0x0  }
0x70: {  	s17 =	sadd.s32 s16, s22;
	[sflag:s5] =	ssyncadd.s32 $0xFFFFC000  }
0x71: {  	[tilespmem:s2], [sflag:$0x5] =	stream.linear.gather [hbm4b:s17+s2], $0x80, $0x38;
	[tilespmem:$0x1C200] =	vst v63  }
0x72: {  	_ =	swait.ge [sflag:s11], $0x80  }
0x73: {  	[sflag:s11] =	ssyncset.done $0x0  }
0x74: {  	[sflag:s11] =	ssyncadd.s32 $0xFFFFFF80  }
0x75: {  	[spmem:s1] =	stream.indirect.scatter.add.f32 [tilespmem:s25], [sflag:$0x7], $0x80, s29, s28, $0xb8;
	[tilespmem:$0x1C200] =	vst v63  }
0x76: {  	_ =	swait.ge [sflag:s26], $0x4000  }
0x77: {  	[sflag:s26] =	ssyncset.done $0x0  }
0x78: {  	s17 =	sadd.s32 s16, s23;
	[sflag:s26] =	ssyncadd.s32 $0xFFFFC000  }
0x79: {  	[tilespmem:s29], [sflag:$0x3] =	stream.linear.gather [hbm4b:s17+s2], $0x80, $0x38;
	[tilespmem:$0x1C200] =	vst v63  }
0x7a: {  	_ =	swait.ge [sflag:s12], $0x4000  }
0x7b: {  	[sflag:s12] =	ssyncset.done $0x0  }
0x7c: {  	[sflag:s12] =	ssyncadd.s32 $0xFFFFC000  }
0x7d: {  	_ =	swait.ge [sflag:s30], $0x80  }
0x7e: {  	[sflag:s30] =	ssyncset.done $0x0  }
0x7f: {  	[sflag:s30] =	ssyncadd.s32 $0xFFFFFF80  }
0x80: {  	[tilespmem:s25], [sflag:$0x1] =	stream.indirect.gather [hbm4b:s4+s28], $0x80, s2, s28, $0xb8;
	[tilespmem:$0x1C200] =	vst v63  }
0x81: {  	s16 =	sadd.s32 s16, s21  }
0x82: {  	[tilespmem:s28], [sflag:$0x6] =	stream.linear.gather [hbm4b:s16+s2], $0x80, $0x38;
	[tilespmem:$0x1C200] =	vst v63  }
0x83: {  	_ =	swait.ge [sflag:s13], $0x80  }
.Ltmp0:
0x84: {  	[sflag:s13] =	ssyncset.done $0x0;
	(pc) =	sbr.rel @p0 .LBB2_2-.Ltmp0, $4  }
0x85: {  	[sflag:s13] =	ssyncadd.s32 $0xFFFFFF80  }
0x86: {  	[spmem:s1] =	stream.indirect.scatter.add.f32 [tilespmem:s0], [sflag:$0x7], $0x80, s3, s28, $0xb8;
	[tilespmem:$0x1C200] =	vst v63  }
0x87: {  	_ =	swait.ge [sflag:s26], $0x4000  }
0x88: {  	[sflag:s26] =	ssyncset.done $0x0  }
0x89: {  	[sflag:s26] =	ssyncadd.s32 $0xFFFFC000  }
0x8a: {  	_ =	swait.ge [sflag:s31], $0x80  }
0x8b: {  	[sflag:s31] =	ssyncset.done $0x0  }
0x8c: {  	[sflag:s31] =	ssyncadd.s32 $0xFFFFFF80  }
0x8d: {  	[tilespmem:s0], [sflag:$0x2] =	stream.indirect.gather [hbm4b:s4+s28], $0x80, s28, s28, $0xb8;
	[tilespmem:$0x1C200] =	vst v63  }
0x8e: {  	_ = 	snop  }
0x8f: {  	[tilespmem:s3], [sflag:$0x4] =	stream.linear.gather [hbm4b:s20+s2], $0x80, $0x38;
	[tilespmem:$0x1C200] =	vst v63  }
0x90: {  	_ =	swait.ge [sflag:s5], $0x4000  }
0x91: {  	[sflag:s5] =	ssyncset.done $0x0  }
0x92: {  	[sflag:s5] =	ssyncadd.s32 $0xFFFFC000  }
0x93: {  	_ =	swait.ge [sflag:s11], $0x80  }
0x94: {  	[sflag:s11] =	ssyncset.done $0x0  }
0x95: {  	[sflag:s11] =	ssyncadd.s32 $0xFFFFFF80  }
0x96: {  	[spmem:s1] =	stream.indirect.scatter.add.f32 [tilespmem:s25], [sflag:$0x7], $0x80, s29, s28, $0xb8;
	[tilespmem:$0x1C200] =	vst v63  }
0x97: {  	_ =	swait.ge [sflag:s26], $0x4000  }
0x98: {  	[sflag:s26] =	ssyncset.done $0x0  }
0x99: {  	[sflag:s26] =	ssyncadd.s32 $0xFFFFC000  }
0x9a: {  	_ =	swait.ge [sflag:s12], $0x4000  }
0x9b: {  	[sflag:s12] =	ssyncset.done $0x0  }
0x9c: {  	[sflag:s12] =	ssyncadd.s32 $0xFFFFC000  }
0x9d: {  	_ =	swait.ge [sflag:s13], $0x80  }
0x9e: {  	[sflag:s13] =	ssyncset.done $0x0  }
0x9f: {  	[sflag:s13] =	ssyncadd.s32 $0xFFFFFF80  }
0xa0: {  	[spmem:s1] =	stream.indirect.scatter.add.f32 [tilespmem:s0], [sflag:$0x7], $0x80, s3, s28, $0xb8;
	[tilespmem:$0x1C200] =	vst v63  }
0xa1: {  	_ =	swait.ge [sflag:s26], $0x4000  }
0xa2: {  	[sflag:s26] =	ssyncset.done $0x0  }
0xa3: {  	[sflag:s26] =	ssyncadd.s32 $0xFFFFC000  }
0xa4: {  	[bflag:$0x0] =	sbarrier.arrive $0xFFFF  }
0xa5: {  	[tilespmem:s25], [sflag:$0x7] =	stream.linear.gather [spmem:s6], $0x4000, $0x38;
	[tilespmem:$0x1C200] =	vst v63  }
0xa6: {  	_ =	swait.ge [sflag:s26], $0x4000  }
0xa7: {  	[sflag:s26] =	ssyncset.done $0x0  }
0xa8: {  	s15 =	rddreg [dreg:$0x8];
	[sflag:s26] =	ssyncadd.s32 $0xFFFFC000  }
0xa9: {  	[hbm4b:s15+s2] =	stream.linear.scatter [tilespmem:s25], [sflag:$0x7], $0x4000, $0x38;
	[tilespmem:$0x1C200] =	vst v63  }
0xaa: {  	_ =	swait.ge [sflag:s26], $0x4000  }
0xab: {  	[sflag:s26] =	ssyncset.done $0x0  }
0xac: {  	[sflag:s26] =	ssyncadd.s32 $0xFFFFC000  }
0xad: {  	[tilespmem:s25], [sflag:$0x7] =	stream.linear.gather [spmem:s7], $0x4000, $0x38;
	[tilespmem:$0x1C200] =	vst v63  }
0xae: {  	_ =	swait.ge [sflag:s26], $0x4000  }
0xaf: {  	[sflag:s26] =	ssyncset.done $0x0  }
0xb0: {  	s17 =	rddreg [dreg:$0x9];
	[sflag:s26] =	ssyncadd.s32 $0xFFFFC000  }
0xb1: {  	[hbm4b:s17+s2] =	stream.linear.scatter [tilespmem:s25], [sflag:$0x7], $0x4000, $0x38;
	[tilespmem:$0x1C200] =	vst v63  }
0xb2: {  	_ =	swait.ge [sflag:s26], $0x4000  }
0xb3: {  	[sflag:s26] =	ssyncset.done $0x0  }
0xb4: {  	[sflag:s26] =	ssyncadd.s32 $0xFFFFC000  }
0xb5: {  	[tilespmem:s25], [sflag:$0x7] =	stream.linear.gather [spmem:s8], $0x4000, $0x38;
	[tilespmem:$0x1C200] =	vst v63  }
0xb6: {  	_ =	swait.ge [sflag:s26], $0x4000  }
0xb7: {  	[sflag:s26] =	ssyncset.done $0x0  }
0xb8: {  	s16 =	rddreg [dreg:$0xa];
	[sflag:s26] =	ssyncadd.s32 $0xFFFFC000  }
0xb9: {  	[hbm4b:s16+s2] =	stream.linear.scatter [tilespmem:s25], [sflag:$0x7], $0x4000, $0x38;
	[tilespmem:$0x1C200] =	vst v63  }
0xba: {  	_ =	swait.ge [sflag:s26], $0x4000  }
0xbb: {  	[sflag:s26] =	ssyncset.done $0x0  }
0xbc: {  	[sflag:s26] =	ssyncadd.s32 $0xFFFFC000  }
0xbd: {  	[tilespmem:s25], [sflag:$0x7] =	stream.linear.gather [spmem:s9], $0x4000, $0x38;
	[tilespmem:$0x1C200] =	vst v63  }
0xbe: {  	_ =	swait.ge [sflag:s26], $0x4000  }
0xbf: {  	[sflag:s26] =	ssyncset.done $0x0  }
0xc0: {  	s17 =	rddreg [dreg:$0xb];
	[sflag:s26] =	ssyncadd.s32 $0xFFFFC000  }
0xc1: {  	[hbm4b:s17+s2] =	stream.linear.scatter [tilespmem:s25], [sflag:$0x7], $0x4000, $0x38;
	[tilespmem:$0x1C200] =	vst v63  }
0xc2: {  	_ =	swait.ge [sflag:s26], $0x4000  }
0xc3: {  	[sflag:s26] =	ssyncset.done $0x0  }
0xc4: {  	[sflag:s26] =	ssyncadd.s32 $0xFFFFC000  }
0xc5: {  	[tilespmem:s25], [sflag:$0x7] =	stream.linear.gather [spmem:s10], $0x4000, $0x38;
	[tilespmem:$0x1C200] =	vst v63  }
0xc6: {  	s14 =	sadd.s32 $0x1, s14;
	_ =	swait.ge [sflag:s26], $0x4000  }
0xc7: {  	p0 =	sne.s32 s14, s19;
	[sflag:s26] =	ssyncset.done $0x0  }
.Ltmp1:
0xc8: {  	[sflag:s26] =	ssyncadd.s32 $0xFFFFC000;
	(pc) =	sbr.rel @p0 .LBB2_1-.Ltmp1, $4  }
0xc9: {  	[hbm4b:s18+s2] =	stream.linear.scatter [tilespmem:s25], [sflag:$0x7], $0x4000, $0x38;
	[tilespmem:$0x1C200] =	vst v63  }
0xca: {  	_ =	swait.ge [sflag:s26], $0x4000  }
0xcb: {  	[sflag:s26] =	ssyncset.done $0x0  }
0xcc: {  	[sflag:s26] =	ssyncadd.s32 $0xFFFFC000  }
0xcd: {  	_ =	sfence.sel $0x180000  }
0xce: {  	[bflag:$0x0] =	sbarrier.arrive $0xFFFF  }
0xcf: {  	_ =	strace $0x90000047  }
0xd0: {  	s0 =	stileid.u32;
	[bflag:$0x2] =	sbarrier.arrive $0xFFFF  }
0xd1: {  	p0 =	sne.s32 s0, $0x0;
	s0 =	rddreg [dreg:$0x3]  }
0xd2: {  	s0 =	sadd.s32 @!p0 $0x100000, s0  }
0xd3: {  	[sflag:s0] =	ssyncadd.tile.s32 @!p0 $0x1;
	_ =	shalt  }
.Lfunc_end2:
_tile_overlayer_lowered:
.L_overlay_start_2:
0xd4: {  	(tag) =	ssettag $0x2  }
0xd5: {  	s0 =	rddreg [dreg:$0x0];
	s2 =	stileid.u32  }
0xd6: {  	s1 =	rddreg [dreg:$0x1];
	p0 =	sne.s32 s2, $0x0  }
0xd7: {  	s3 =	rddreg [dreg:$0x2];
	[bflag:$0x3] =	sbarrier.arrive $0xFFFF;
	s2 =	simm.s32 @!p0 $0x1C07  }
0xd8: {  	[timem:s3], [sflag:s2] =	dma.local @!p0 [hbm:s0], s1  }
0xd9: {  	s0 =	simm.s32 @!p0 $0x7  }
0xda: {  	_ =	swait.ge @!p0 [sflag:s0], s1  }
0xdb: {  	s1 =	ssub.s32 @!p0 $0x0, s1;
	[sflag:s0] =	ssyncset.done @!p0 $0x0  }
0xdc: {  	[sflag:s0] =	ssyncadd.s32 @!p0 s1  }
0xdd: {  	[bflag:$0x3] =	sbarrier.arrive $0xFFFF  }
0xde: {  	_ =	shalt  }

// kernel: kernel.8.cloned.1.call-start
scs
__scs_entry_jumppad:
0x0: {  	(pc) =	sbr.rel $0x88, $3  }
0x1: {  	(tag) =	ssettag $0x0;
	lr =	simm.s32 $0x1  }
0x2: {  	[smem:$0x3F9D] =	sst lr;
	_ =	strace $0xD0000000  }
0x3: {  	_ = 	snop  }
0x4: {  	_ = 	snop  }
0x5: {  	_ = 	snop  }
0x6: {  	_ = 	snop  }
0x7: {  	_ = 	snop  }
__scs_overlays_trampoline_lowered:
0x8: {  	[smem:$0x3FAC] =	sst s0  }
0x9: {  	[smem:$0x3FAD] =	sst s1  }
0xa: {  	[smem:$0x3FAE] =	sst s2  }
0xb: {  	[smem:$0x3FAF] =	sst s3  }
0xc: {  	[smem:$0x3FB0] =	sst s4  }
0xd: {  	[smem:$0x3FB1] =	sst s5  }
0xe: {  	[smem:$0x3FB2] =	sst s6  }
0xf: {  	[smem:$0x3FB3] =	sst s7  }
0x10: {  	[smem:$0x3FB4] =	sst s8  }
0x11: {  	[smem:$0x3FB5] =	sst s9;
	s0 =	simm.s32 @!p0 $0x0  }
0x12: {  	s1 =	sld [smem:$0x3F9B];
	s0 =	simm.s32 @p0 $0x1  }
0x13: {  	[smem:$0x3FB6] =	sst s0;
	s0 =	simm.s32 @!p1 $0x0  }
0x14: {  	s2 =	sld [smem:$0x3F9A];
	s0 =	simm.s32 @p1 $0x1  }
0x15: {  	[smem:$0x3FB7] =	sst s0;
	s0 =	simm.s32 @!p2 $0x0  }
0x16: {  	s3 =	sld [smem:$0x3FDB];
	s0 =	simm.s32 @p2 $0x1  }
0x17: {  	s4 =	simm.s32 $0x1BF5;
	[smem:$0x3FB9] =	sst s0  }
0x18: {  	s0 =	sld [smem:$0x3F9C];
	_ =	swait.ge [sflag:s4], $0x0  }
0x19: {  	s7 =	sld [smem:$0x3F9D]  }
0x1a: {  	s8 =	sadd.s32 $0xFFFFE003, lr  }
0x1b: {  	s9 =	sadd.s32 $0xFFFFFEF7, lr;
	s5 =	simm.s32 $0xFFFFFFFF;
	p2 =	slt.u32 s8, $0xFFFFF086  }
0x1c: {  	p1 =	slt.u32 s9, $0xF7A;
	s5 =	simm.s32 @!p2 $0x0  }
0x1d: {  	s5 =	simm.s32 @p1 $0x1;
	p0 =	seq.s32 s7, s2  }
0x1e: {  	s7 =	smul.u32 @!p0 $0xF7A, s2;
	p2 =	seq.s32 @!p0 s5, $0x0  }
0x1f: {  	s9 =	smul.u32 $0xF7A, s1;
	s8 =	simm.s32 @!p0 $0x1BF5;
	p2 =	por !p2, p0  }
0x20: {  	[sflag:s8] =	ssyncset.s32 @!p0 $0xFFFFF086;
	s6 =	sadd.s32 @!p0 s3, s7;
	s7 =	simm.s32 @!p0 $0x108  }
0x21: {  	s3 =	sadd.s32 s3, s9;
	s6 =	sadd.s32 @!p0 $0x88, s6;
	s7 =	simm.s32 @p2 $0x1082  }
0x22: {  	[simem:s7], [sflag:s8] =	dma.local @!p0 [hbm:s6], $0xF7A  }
0x23: {  	s9 =	sor.u32 $0xD0000000, s2;
	s6 =	simm.s32 $0x108;
	_ =	swait.ge @!p0 [sflag:s8], $0x0  }
0x24: {  	s3 =	sadd.s32 $0x88, s3;
	s6 =	simm.s32 @!p1 $0x1082;
	[sflag:s4] =	ssyncset.s32 $0xFFFFF086  }
0x25: {  	[simem:s6], [sflag:s4] =	dma.local [hbm:s3], $0xF7A  }
0x26: {  	[smem:$0x3F9D] =	sst s1;
	(tag) =	ssettag s2;
	_ =	strace s9  }
0x27: {  	s1 =	sld [smem:$0x3FAD]  }
0x28: {  	s2 =	sld [smem:$0x3FAE]  }
0x29: {  	s4 =	sld [smem:$0x3FB0]  }
0x2a: {  	p0 =	seq.s32 s5, $0x0;
	s5 =	sld [smem:$0x3FB1]  }
0x2b: {  	s6 =	sld [smem:$0x3FB2]  }
0x2c: {  	s7 =	sld [smem:$0x3FB3]  }
0x2d: {  	s3 =	simm.s32 $0x108;
	s8 =	sld [smem:$0x3FB4]  }
0x2e: {  	s3 =	simm.s32 @!p0 $0x1082;
	s9 =	sld [smem:$0x3FB5]  }
0x2f: {  	lr =	sadd.s32 s0, s3;
	s0 =	sld [smem:$0x3FAC]  }
0x30: {  	s3 =	sld [smem:$0x3FAF]  }
0x31: {  	[smem:$0x3FB8] =	sst s10  }
0x32: {  	s10 =	sld [smem:$0x3FB6];
	_ =	sdelay $0x3  }
0x33: {  	p0 =	seq.s32 s10, $0x1;
	s10 =	sld [smem:$0x3FB8];
	_ =	sdelay $0x3  }
0x34: {  	[smem:$0x3FB8] =	sst s10  }
0x35: {  	s10 =	sld [smem:$0x3FB7];
	_ =	sdelay $0x3  }
0x36: {  	p1 =	seq.s32 s10, $0x1;
	s10 =	sld [smem:$0x3FB8];
	_ =	sdelay $0x3  }
0x37: {  	[smem:$0x3FB8] =	sst s10  }
0x38: {  	s10 =	sld [smem:$0x3FB9]  }
0x39: {  	_ = 	snop;
	(pc) =	sbr.ind lr, $3  }
0x3a: {  	_ = 	snop  }
0x3b: {  	_ = 	snop  }
0x3c: {  	p2 =	seq.s32 s10, $0x1;
	s10 =	sld [smem:$0x3FB8]  }
0x3d: {  	_ =	shalt  }
0x3e: {  	_ =	shalt  }
0x3f: {  	_ =	shalt  }
0x40: {  	_ =	shalt  }
0x41: {  	_ =	shalt  }
0x42: {  	_ =	shalt  }
0x43: {  	_ =	shalt  }
0x44: {  	_ =	shalt  }
0x45: {  	_ =	shalt  }
0x46: {  	_ =	shalt  }
0x47: {  	_ =	shalt  }
0x48: {  	_ =	shalt  }
0x49: {  	_ =	shalt  }
0x4a: {  	_ =	shalt  }
0x4b: {  	_ =	shalt  }
0x4c: {  	_ =	shalt  }
0x4d: {  	_ =	shalt  }
0x4e: {  	_ =	shalt  }
0x4f: {  	_ =	shalt  }
0x50: {  	_ =	shalt  }
0x51: {  	_ =	shalt  }
0x52: {  	_ =	shalt  }
0x53: {  	_ =	shalt  }
0x54: {  	_ =	shalt  }
0x55: {  	_ =	shalt  }
0x56: {  	_ =	shalt  }
0x57: {  	_ =	shalt  }
0x58: {  	_ =	shalt  }
0x59: {  	_ =	shalt  }
0x5a: {  	_ =	shalt  }
0x5b: {  	_ =	shalt  }
0x5c: {  	_ =	shalt  }
0x5d: {  	_ =	shalt  }
0x5e: {  	_ =	shalt  }
0x5f: {  	_ =	shalt  }
0x60: {  	_ =	shalt  }
0x61: {  	_ =	shalt  }
0x62: {  	_ =	shalt  }
0x63: {  	_ =	shalt  }
0x64: {  	_ =	shalt  }
0x65: {  	_ =	shalt  }
0x66: {  	_ =	shalt  }
0x67: {  	_ =	shalt  }
0x68: {  	_ =	shalt  }
0x69: {  	_ =	shalt  }
0x6a: {  	_ =	shalt  }
0x6b: {  	_ =	shalt  }
0x6c: {  	_ =	shalt  }
0x6d: {  	_ =	shalt  }
0x6e: {  	_ =	shalt  }
0x6f: {  	_ =	shalt  }
0x70: {  	_ =	shalt  }
0x71: {  	_ =	shalt  }
0x72: {  	_ =	shalt  }
0x73: {  	_ =	shalt  }
0x74: {  	_ =	shalt  }
0x75: {  	_ =	shalt  }
0x76: {  	_ =	shalt  }
0x77: {  	_ =	shalt  }
0x78: {  	_ =	shalt  }
0x79: {  	_ =	shalt  }
0x7a: {  	_ =	shalt  }
0x7b: {  	_ =	shalt  }
0x7c: {  	_ =	shalt  }
0x7d: {  	_ =	shalt  }
0x7e: {  	_ =	shalt  }
0x7f: {  	_ =	shalt  }
0x80: {  	_ =	shalt  }
0x81: {  	_ =	shalt  }
0x82: {  	_ =	shalt  }
0x83: {  	_ =	shalt  }
0x84: {  	_ =	shalt  }
0x85: {  	_ =	shalt  }
0x86: {  	_ =	shalt  }
0x87: {  	_ =	shalt  }
.Lfunc_end0:
.L_simem_size_0:
called_computation.1_lowered:
.L_overlay_start_0:
0x88: {  	s2 =	sld [smem:$0x3FD9]  }
0x89: {  	s3 =	sld [smem:$0x3FFE];
	_ =	sdelay $0x1  }
0x8a: {  	s1 =	srdreg.scid  }
0x8b: {  	s0 =	sand.u32 $0x1, s1  }
0x8c: {  	s17 =	sshll.u32 s0, $0xA;
	s2 =	sadd.s32 s3, s2  }
0x8d: {  	s2 =	sadd.s32 s2, s17  }
0x8e: {  	[smem:$0x3FC4] =	sst s2  }
0x8f: {  	_ = 	snop  }
0x90: {  	s18 =	sld [smem:$0x3FD0];
	(tm) =	ssettm $0x1  }
0x91: {  	s19 =	sld [smem:$0x3FFB];
	_ =	sdelay $0x3  }
0x92: {  	_ =	strace s19  }
0x93: {  	s2 =	sld [smem:$0x3FFC];
	_ =	sdelay $0x3  }
0x94: {  	_ =	strace s2  }
0x95: {  	s2 =	sld [smem:$0x3FFD];
	_ =	sdelay $0x3  }
0x96: {  	_ =	strace s2  }
0x97: {  	_ =	strace $0x8FFFFFFF  }
0x98: {  	s20 =	sld [smem:$0x3FDB];
	_ =	sdelay $0x1  }
0x99: {  	s4 =	simm.s32 $_scs_section_size  }
0x9a: {  	s5 =	simm.s32 $_size__tile_overlayer_lowered;
	s6 =	simm.s32 $_tile_overlayer_lowered  }
0x9b: {  	s7 =	simm.s32 $0x1BFF;
	s21 =	sshll.u32 s6, $0x1;
	s4 =	sadd.s32 s4, s20  }
0x9c: {  	s22 =	simm.s32 $0x0;
	s5 =	sshll.u32 s5, $0x1;
	s6 =	sadd.s32 s21, s4  }
0x9d: {  	[timem:s22], [sflag:s7] =	dma.local [hbm:s6], s5  }
0x9e: {  	_ =	swait.ge [sflag:s7], s5  }
0x9f: {  	s5 =	ssub.s32 $0x0, s5;
	[sflag:s7] =	ssyncset.done $0x0  }
0xa0: {  	[sflag:s7] =	ssyncadd.s32 s5;
	_ =	sdelay $0x1  }
0xa1: {  	s23 =	simm.s32 $0x1B8B  }
0xa2: {  	_ =	swait.ge [sflag:s23], $0x1  }
0xa3: {  	[sflag:s23] =	ssyncset.done $0x0  }
0xa4: {  	[sflag:s23] =	ssyncadd.s32 $0xFFFFFFFF  }
0xa5: {  	s5 =	sld [smem:$0x0]  }
0xa6: {  	s6 =	sand.u32 $0xFFFFFFFE, s1  }
0xa7: {  	p0 =	sne.s32 s1, s6  }
0xa8: {  	s6 =	sshll.u32 @p0 s6, $0xE  }
0xa9: {  	s6 =	sadd.s32 @p0 $0x11B8D, s6;
	s7 =	sshll.u32 @p0 s5, $0x11  }
0xaa: {  	s6 =	sor.u32 @p0 s7, s6  }
0xab: {  	[sflag:s6] =	ssyncadd.remote.s32 @p0 $0x1;
	_ =	sdelay $0x1  }
0xac: {  	s6 =	simm.s32 @p0 $0x1B8D  }
0xad: {  	_ =	swait.eq @p0 [sflag:s6], $0x1  }
0xae: {  	[sflag:s6] =	ssyncadd.s32 @p0 $0xFFFFFFFF  }
0xaf: {  	s7 =	sshll.u32 @!p0 s1, $0xE  }
0xb0: {  	s7 =	sor.u32 @!p0 $0x4000, s7;
	s6 =	simm.s32 @!p0 $0x1B8D  }
0xb1: {  	s5 =	sshll.u32 @!p0 s5, $0x11;
	s7 =	sadd.s32 @!p0 $0x11B8D, s7;
	_ =	swait.eq @!p0 [sflag:s6], $0x1  }
0xb2: {  	s5 =	sor.u32 @!p0 s5, s7;
	[sflag:s6] =	ssyncadd.s32 @!p0 $0xFFFFFFFF  }
0xb3: {  	s25 =	simm.s32 $0x1B8E;
	s24 =	sld [smem:$0x3FFE];
	[sflag:s5] =	ssyncadd.remote.s32 @!p0 $0x1  }
0xb4: {  	s26 =	simm.s32 $execute0_lowered;
	[smem:$0x3FD2] =	sst s25  }
0xb5: {  	s6 =	sshll.u32 s26, $0x1;
	_ =	strace $0x80000049;
	[dreg:$0x1] =	wrdreg $0xFFFFFFFF  }
0xb6: {  	s28 =	simm.s32 $_size_execute0_lowered;
	s4 =	sadd.s32 s4, s6;
	[dreg:$0x0] =	wrdreg $0x0  }
0xb7: {  	s6 =	sshll.u32 s28, $0x1;
	[dreg:$0x2] =	wrdreg s4  }
0xb8: {  	[dreg:$0x3] =	wrdreg s6  }
0xb9: {  	[dreg:$0x4] =	wrdreg $0xC0  }
0xba: {  	_ =	task [dreg:s22], $0x5FFFF  }
0xbb: {  	[dreg:$0x1] =	wrdreg $0xFFFFFFFF  }
0xbc: {  	[dreg:$0x0] =	wrdreg $0x60  }
0xbd: {  	[dreg:$0x2] =	wrdreg s18  }
0xbe: {  	[dreg:$0x3] =	wrdreg s24  }
0xbf: {  	[dreg:$0x4] =	wrdreg $0x80800  }
0xc0: {  	[dreg:$0x5] =	wrdreg $0xA  }
0xc1: {  	_ =	task.clear_ibuf [dreg:s22], $0x6FFFF;
	_ =	strace $0x90000049  }
0xc2: {  	s29 =	simm.s32 $0xA;
	_ =	strace $0x8000004B  }
0xc3: {  	_ =	swait.ge [sflag:s29], $0x1  }
0xc4: {  	[sflag:s29] =	ssyncadd.s32 $0xFFFFFFFF  }
0xc5: {  	_ =	strace $0x9000004B  }
0xc6: {  	_ =	sfence  }
0xc7: {  	s30 =	sld [smem:$0x0];
	_ =	sdelay $0x2  }
0xc8: {  	s31 =	sshll.u32 s1, $0xD;
	s1 =	sshrl.u32 s1, $0x2  }
0xc9: {  	s4 =	sand.u32 $0x4000, s31;
	s1 =	sadd.s32 s1, s30  }
0xca: {  	s0 =	sor.u32 s4, s0;
	s1 =	sshll.u32 s1, $0x11  }
0xcb: {  	s0 =	sor.u32 s1, s0  }
0xcc: {  	s0 =	sadd.s32 $0x8F2B, s0  }
0xcd: {  	[sflag:s0] =	ssyncadd.remote.s32 $0x1  }
0xce: {  	_ =	sfence.sel $0xFFFF  }
0xcf: {  	[dreg:$0x0] =	wrdreg $0xFFFFFFFF;
	(pc) =	sbr.abs _section_cstart, $3  }
0xd0: {  	[dreg:$0x1] =	wrdreg $0xFFFFFFFF  }
0xd1: {  	_ =	task.clear_ibuf [dreg:s22], $0x2FFFF;
	_ =	strace $0x9FFFFFFF  }
0xd2: {  	(tm) =	ssettm $0x7FFFFFFF  }
0xd3: {  	_ =	shalt  }
tec
execute0_lowered:
.L_overlay_start_1:
0x0: {  	(tag) =	ssettag $0x1  }
0x1: {  	s16 =	rddreg [dreg:$0x0]  }
0x2: {  	s6 =	rddreg [dreg:$0x1]  }
0x3: {  	s1 =	rddreg [dreg:$0x2]  }
0x4: {  	s0 =	rddreg [dreg:$0x3];
	s2 =	stileid.u32  }
0x5: {  	s3 =	simm.s32 $0x0;
	s4 =	srdreg.scid;
	s7 =	smul.u32 $0x50000, s2  }
0x6: {  	[smem:$0x7FF] =	sst s3;
	s14 =	sand.u32 $0x1, s4;
	s11 =	smul.u32 $0x14000, s2  }
0x7: {  	s4 =	sadd.s32 $0x83A00, s6;
	s5 =	sadd.s32 $0x33200, s6;
	s30 =	smul.u32 $0x9E0, s2  }
0x8: {  	s15 =	sadd.s32 $0x84200, s6;
	s8 =	ssub.s32 $0x2, s14;
	s20 =	smul.u32 $0x140000, s14  }
0x9: {  	_ =	strace $0x8000004A;
	s21 =	smul.u32 $0x4F0, s14;
	s28 =	sshrl.u32 s8, $0x1  }
0xa: {  	s29 =	sshrl.u32 s7, $0x2;
	s12 =	sadd.s32 $0x4000, s11;
	s13 =	sadd.s32 $0x8000, s11  }
0xb: {  	s18 =	sadd.s32 $0xC000, s11;
	s19 =	sadd.s32 $0x10000, s11;
	s31 =	sadd.s32 s30, s16  }
0xc: {  	s17 =	ssub.s32 s8, s28;
	s6 =	sadd.s32 s29, s1;
	s7 =	sadd.s32 s12, s1  }
0xd: {  	s8 =	sadd.s32 s13, s1;
	s9 =	sadd.s32 s18, s1;
	s10 =	sadd.s32 s19, s1  }
0xe: {  	s11 =	sadd.s32 s11, s20;
	s12 =	sadd.s32 s20, s12;
	s13 =	sadd.s32 s20, s13  }
0xf: {  	s18 =	sadd.s32 s20, s18;
	s19 =	sadd.s32 s20, s19;
	s20 =	simm.s32 $0x4080  }
0x10: {  	s11 =	sshrl.u32 s11, $0x3;
	s12 =	sshrl.u32 s12, $0x3;
	s13 =	sshrl.u32 s13, $0x3  }
0x11: {  	s18 =	sshrl.u32 s18, $0x3;
	s19 =	sshrl.u32 s19, $0x3;
	s16 =	smax.u32 s17, $0x1  }
0x12: {  	s17 =	sadd.s32 s21, s31;
	s21 =	simm.s32 $0x0;
	s11 =	sadd.s32 s15, s11  }
0x13: {  	s12 =	sadd.s32 s15, s12;
	s13 =	sadd.s32 s15, s13;
	s14 =	sadd.s32 s15, s18  }
0x14: {  	s15 =	sadd.s32 s15, s19;
	s18 =	simm.s32 $0x80;
	s19 =	simm.s32 $0x1  }
.LBB2_1:
0x15: {  	[tilespmem:s18], [sflag:$0x1] =	stream.linear.gather [hbm4b:s4+s3], $0x4000, $0x38;
	[tilespmem:$0x1C080] =	vst v63  }
0x16: {  	_ =	swait.ge [sflag:s19], $0x4000  }
0x17: {  	[sflag:s19] =	ssyncset.done $0x0  }
0x18: {  	[sflag:s19] =	ssyncadd.s32 $0xFFFFC000  }
0x19: {  	[tilespmem:s20], [sflag:$0x1] =	stream.linear.gather [hbm4b:s5+s3], $0x4000, $0x38;
	[tilespmem:$0x1C080] =	vst v63  }
0x1a: {  	_ =	swait.ge [sflag:s19], $0x4000  }
0x1b: {  	[sflag:s19] =	ssyncset.done $0x0  }
0x1c: {  	[sflag:s19] =	ssyncadd.s32 $0xFFFFC000  }
0x1d: {  	[spmem:s6] =	stream.linear.scatter [tilespmem:s20], [sflag:$0x1], $0x4000, $0x38;
	[tilespmem:$0x1C080] =	vst v63  }
0x1e: {  	_ =	swait.ge [sflag:s19], $0x4000  }
0x1f: {  	[sflag:s19] =	ssyncset.done $0x0  }
0x20: {  	[sflag:s19] =	ssyncadd.s32 $0xFFFFC000  }
0x21: {  	[spmem:s7] =	stream.linear.scatter [tilespmem:s20], [sflag:$0x1], $0x4000, $0x38;
	[tilespmem:$0x1C080] =	vst v63  }
0x22: {  	_ =	swait.ge [sflag:s19], $0x4000  }
0x23: {  	[sflag:s19] =	ssyncset.done $0x0  }
0x24: {  	[sflag:s19] =	ssyncadd.s32 $0xFFFFC000  }
0x25: {  	[spmem:s8] =	stream.linear.scatter [tilespmem:s20], [sflag:$0x1], $0x4000, $0x38;
	[tilespmem:$0x1C080] =	vst v63  }
0x26: {  	_ =	swait.ge [sflag:s19], $0x4000  }
0x27: {  	[sflag:s19] =	ssyncset.done $0x0  }
0x28: {  	[sflag:s19] =	ssyncadd.s32 $0xFFFFC000  }
0x29: {  	[spmem:s9] =	stream.linear.scatter [tilespmem:s20], [sflag:$0x1], $0x4000, $0x38;
	[tilespmem:$0x1C080] =	vst v63  }
0x2a: {  	_ =	swait.ge [sflag:s19], $0x4000  }
0x2b: {  	[sflag:s19] =	ssyncset.done $0x0  }
0x2c: {  	[sflag:s19] =	ssyncadd.s32 $0xFFFFC000  }
0x2d: {  	[spmem:s10] =	stream.linear.scatter [tilespmem:s20], [sflag:$0x1], $0x4000, $0x38;
	[tilespmem:$0x1C080] =	vst v63  }
0x2e: {  	_ =	swait.ge [sflag:s19], $0x4000  }
0x2f: {  	[sflag:s19] =	ssyncset.done $0x0  }
0x30: {  	[sflag:s19] =	ssyncadd.s32 $0xFFFFC000  }
0x31: {  	s22 =	sadd.s32 $0x0, s17;
	[bflag:$0x0] =	sbarrier.arrive $0xFFFF  }
0x32: {  	[tilespmem:s3], [sflag:$0x1] =	stream.linear.gather [hbm4b:s22+s3], $0x80, $0x38;
	[tilespmem:$0x1C080] =	vst v63  }
0x33: {  	_ =	swait.ge [sflag:s19], $0x80  }
0x34: {  	[sflag:s19] =	ssyncset.done $0x0  }
0x35: {  	[sflag:s19] =	ssyncadd.s32 $0xFFFFFF80  }
0x36: {  	[spmem:s1] =	stream.indirect.scatter.add.f32 [tilespmem:s18], [sflag:$0x1], $0x80, s3, s18, $0xb8;
	[tilespmem:$0x1C080] =	vst v63  }
0x37: {  	_ =	swait.ge [sflag:s19], $0x4000  }
0x38: {  	s23 =	simm.s32 $0x20;
	s22 =	simm.s32 $0x10;
	[sflag:s19] =	ssyncset.done $0x0  }
.LBB2_2:
0x39: {  	s24 =	sadd.s32 s22, s17  }
0x3a: {  	[sflag:s19] =	ssyncadd.s32 $0xFFFFC000;
	s22 =	smov.u32 s23;
	s25 =	sadd.s32 $0x10, s23  }
0x3b: {  	[tilespmem:s3], [sflag:$0x1] =	stream.linear.gather [hbm4b:s24+s3], $0x80, $0x38;
	[tilespmem:$0x1C080] =	vst v63  }
0x3c: {  	p0 =	sne.s32 s23, $0x4E0;
	_ =	swait.ge [sflag:s19], $0x80  }
.Ltmp0:
0x3d: {  	[sflag:s19] =	ssyncset.done $0x0;
	(pc) =	sbr.rel @p0 .LBB2_2-.Ltmp0, $4  }
0x3e: {  	[sflag:s19] =	ssyncadd.s32 $0xFFFFFF80  }
0x3f: {  	[spmem:s1] =	stream.indirect.scatter.add.f32 [tilespmem:s18], [sflag:$0x1], $0x80, s3, s18, $0xb8;
	[tilespmem:$0x1C080] =	vst v63  }
0x40: {  	_ =	swait.ge [sflag:s19], $0x4000  }
0x41: {  	s23 =	smov.u32 s25;
	[sflag:s19] =	ssyncset.done $0x0  }
0x42: {  	s22 =	sadd.s32 s22, s17;
	[sflag:s19] =	ssyncadd.s32 $0xFFFFC000  }
0x43: {  	[tilespmem:s3], [sflag:$0x1] =	stream.linear.gather [hbm4b:s22+s3], $0x80, $0x38;
	[tilespmem:$0x1C080] =	vst v63  }
0x44: {  	_ =	swait.ge [sflag:s19], $0x80  }
0x45: {  	[sflag:s19] =	ssyncset.done $0x0  }
0x46: {  	[sflag:s19] =	ssyncadd.s32 $0xFFFFFF80  }
0x47: {  	[spmem:s1] =	stream.indirect.scatter.add.f32 [tilespmem:s18], [sflag:$0x1], $0x80, s3, s18, $0xb8;
	[tilespmem:$0x1C080] =	vst v63  }
0x48: {  	_ =	swait.ge [sflag:s19], $0x4000  }
0x49: {  	[sflag:s19] =	ssyncset.done $0x0  }
0x4a: {  	[sflag:s19] =	ssyncadd.s32 $0xFFFFC000  }
0x4b: {  	[bflag:$0x0] =	sbarrier.arrive $0xFFFF  }
0x4c: {  	[tilespmem:s20], [sflag:$0x1] =	stream.linear.gather [spmem:s6], $0x4000, $0x38;
	[tilespmem:$0x1C080] =	vst v63  }
0x4d: {  	_ =	swait.ge [sflag:s19], $0x4000  }
0x4e: {  	[sflag:s19] =	ssyncset.done $0x0  }
0x4f: {  	[sflag:s19] =	ssyncadd.s32 $0xFFFFC000  }
0x50: {  	[hbm4b:s11+s3] =	stream.linear.scatter [tilespmem:s20], [sflag:$0x1], $0x4000, $0x38;
	[tilespmem:$0x1C080] =	vst v63  }
0x51: {  	_ =	swait.ge [sflag:s19], $0x4000  }
0x52: {  	[sflag:s19] =	ssyncset.done $0x0  }
0x53: {  	[sflag:s19] =	ssyncadd.s32 $0xFFFFC000  }
0x54: {  	[tilespmem:s20], [sflag:$0x1] =	stream.linear.gather [spmem:s7], $0x4000, $0x38;
	[tilespmem:$0x1C080] =	vst v63  }
0x55: {  	_ =	swait.ge [sflag:s19], $0x4000  }
0x56: {  	[sflag:s19] =	ssyncset.done $0x0  }
0x57: {  	[sflag:s19] =	ssyncadd.s32 $0xFFFFC000  }
0x58: {  	[hbm4b:s12+s3] =	stream.linear.scatter [tilespmem:s20], [sflag:$0x1], $0x4000, $0x38;
	[tilespmem:$0x1C080] =	vst v63  }
0x59: {  	_ =	swait.ge [sflag:s19], $0x4000  }
0x5a: {  	[sflag:s19] =	ssyncset.done $0x0  }
0x5b: {  	[sflag:s19] =	ssyncadd.s32 $0xFFFFC000  }
0x5c: {  	[tilespmem:s20], [sflag:$0x1] =	stream.linear.gather [spmem:s8], $0x4000, $0x38;
	[tilespmem:$0x1C080] =	vst v63  }
0x5d: {  	_ =	swait.ge [sflag:s19], $0x4000  }
0x5e: {  	[sflag:s19] =	ssyncset.done $0x0  }
0x5f: {  	[sflag:s19] =	ssyncadd.s32 $0xFFFFC000  }
0x60: {  	[hbm4b:s13+s3] =	stream.linear.scatter [tilespmem:s20], [sflag:$0x1], $0x4000, $0x38;
	[tilespmem:$0x1C080] =	vst v63  }
0x61: {  	_ =	swait.ge [sflag:s19], $0x4000  }
0x62: {  	[sflag:s19] =	ssyncset.done $0x0  }
0x63: {  	[sflag:s19] =	ssyncadd.s32 $0xFFFFC000  }
0x64: {  	[tilespmem:s20], [sflag:$0x1] =	stream.linear.gather [spmem:s9], $0x4000, $0x38;
	[tilespmem:$0x1C080] =	vst v63  }
0x65: {  	_ =	swait.ge [sflag:s19], $0x4000  }
0x66: {  	[sflag:s19] =	ssyncset.done $0x0  }
0x67: {  	[sflag:s19] =	ssyncadd.s32 $0xFFFFC000  }
0x68: {  	[hbm4b:s14+s3] =	stream.linear.scatter [tilespmem:s20], [sflag:$0x1], $0x4000, $0x38;
	[tilespmem:$0x1C080] =	vst v63  }
0x69: {  	_ =	swait.ge [sflag:s19], $0x4000  }
0x6a: {  	[sflag:s19] =	ssyncset.done $0x0  }
0x6b: {  	[sflag:s19] =	ssyncadd.s32 $0xFFFFC000  }
0x6c: {  	[tilespmem:s20], [sflag:$0x1] =	stream.linear.gather [spmem:s10], $0x4000, $0x38;
	[tilespmem:$0x1C080] =	vst v63  }
0x6d: {  	s21 =	sadd.s32 $0x1, s21;
	_ =	swait.ge [sflag:s19], $0x4000  }
0x6e: {  	p0 =	sne.s32 s21, s16;
	[sflag:s19] =	ssyncset.done $0x0  }
.Ltmp1:
0x6f: {  	[sflag:s19] =	ssyncadd.s32 $0xFFFFC000;
	(pc) =	sbr.rel @p0 .LBB2_1-.Ltmp1, $4  }
0x70: {  	[hbm4b:s15+s3] =	stream.linear.scatter [tilespmem:s20], [sflag:$0x1], $0x4000, $0x38;
	[tilespmem:$0x1C080] =	vst v63  }
0x71: {  	_ =	swait.ge [sflag:s19], $0x4000  }
0x72: {  	[sflag:s19] =	ssyncset.done $0x0  }
0x73: {  	[sflag:s19] =	ssyncadd.s32 $0xFFFFC000  }
0x74: {  	_ =	sfence.sel $0x180000  }
0x75: {  	[bflag:$0x0] =	sbarrier.arrive $0xFFFF  }
0x76: {  	p0 =	sne.s32 s2, $0x0;
	_ =	strace $0x9000004A  }
0x77: {  	s0 =	sadd.s32 @!p0 $0x100000, s0;
	[bflag:$0x2] =	sbarrier.arrive $0xFFFF  }
0x78: {  	[sflag:s0] =	ssyncadd.tile.s32 @!p0 $0x1;
	_ =	shalt  }
.Lfunc_end2:
_tile_overlayer_lowered:
.L_overlay_start_2:
0x79: {  	(tag) =	ssettag $0x2  }
0x7a: {  	s0 =	rddreg [dreg:$0x0];
	s2 =	stileid.u32  }
0x7b: {  	s1 =	rddreg [dreg:$0x1];
	p0 =	sne.s32 s2, $0x0  }
0x7c: {  	s3 =	rddreg [dreg:$0x2];
	[bflag:$0x3] =	sbarrier.arrive $0xFFFF;
	s2 =	simm.s32 @!p0 $0x1C01  }
0x7d: {  	[timem:s3], [sflag:s2] =	dma.local @!p0 [hbm:s0], s1  }
0x7e: {  	s0 =	simm.s32 @!p0 $0x1  }
0x7f: {  	_ =	swait.ge @!p0 [sflag:s0], s1  }
0x80: {  	s1 =	ssub.s32 @!p0 $0x0, s1;
	[sflag:s0] =	ssyncset.done @!p0 $0x0  }
0x81: {  	[sflag:s0] =	ssyncadd.s32 @!p0 s1  }
0x82: {  	[bflag:$0x3] =	sbarrier.arrive $0xFFFF  }
0x83: {  	_ =	shalt  }

</sc_bundles>
